<compile_context>
chip_gen: v7x
topology: tpu7x:2x2x1
jax: 0.10.2.dev20260603
libtpu: 0.0.44.dev20260713+nightly
codegen_flags: <defaults>
</compile_context>

<pallas_src>
import functools

import jax
import jax.numpy as jnp
from jax import lax
from jax.experimental import pallas as pl
from jax.experimental.pallas import tpu as pltpu
from jax.experimental.pallas import tpu_sc as plsc

L = 512
D_PAIR = 192
NTAB = 66 * 10 * 2
P = L * L

_NC = 2
_NS = 16
NW = _NC * _NS
PER_W = P // NW
ROWS_W = PER_W // L
CHUNK = 128
BLOCK = 128
NBUF = 4
NBLK = PER_W // BLOCK
NGROUP = NBLK // NBUF


def _tc_body(seq_r, seq_c, idx_r, idx_c, bf, sc, wr, wa, wc, cidx_out,
             table_out):
    f32 = jnp.float32
    sm_r = seq_r[...] >= 32
    sm_c = seq_c[...] >= 32
    sm2 = jnp.logical_and(sm_c, sm_r)

    dres = jnp.clip(idx_r[...] - idx_c[...], -32, 32) + 32
    ib_res = jnp.where(sm2, 65, dres)

    bfm = bf[0]
    adj = jnp.logical_and(bfm > 0, bfm < 5).astype(f32)
    ir = lax.broadcasted_iota(jnp.int32, (L, L), 0)
    ic = lax.broadcasted_iota(jnp.int32, (L, L), 1)
    eye = ir == ic
    dist = jnp.where(adj > 0, 1.0, 9.0)
    dist = jnp.where(eye, 0.0, dist)
    reach = jnp.minimum(adj + eye.astype(f32), 1.0)
    cur = reach
    for k in range(2, 9):
        cur = (jnp.dot(cur, reach, preferred_element_type=f32) > 0).astype(f32)
        dist = jnp.where((cur > 0) & (dist >= 9.0), float(k), dist)
    atom_sm = jnp.minimum(dist, 8.0).astype(jnp.int32)
    ib_atom = jnp.where(sm2, atom_sm, 9)

    cidx_out[...] = ib_res * 20 + ib_atom * 2 + sc[0]

    rid = lax.broadcasted_iota(jnp.int32, (NTAB, 1), 0)
    a = rid // 20
    b = (rid % 20) // 2
    c = rid % 2
    oh_a = (lax.broadcasted_iota(jnp.int32, (NTAB, 66), 1) == a).astype(f32)
    oh_b = (lax.broadcasted_iota(jnp.int32, (NTAB, 10), 1) == b).astype(f32)
    oh_c = (lax.broadcasted_iota(jnp.int32, (NTAB, 2), 1) == c).astype(f32)
    hi = lax.Precision.HIGHEST
    table_out[...] = (
        jnp.dot(oh_a, wr[...], precision=hi, preferred_element_type=f32)
        + jnp.dot(oh_b, wa[...], precision=hi, preferred_element_type=f32)
        + jnp.dot(oh_c, wc[...], precision=hi, preferred_element_type=f32))


def _index_and_table(seq_r, seq_c, idx_r, idx_c, bond_feats, same_chain,
                     emb_res_w, emb_atom_w, emb_chain_w):
    return pl.pallas_call(
        _tc_body,
        out_shape=(
            jax.ShapeDtypeStruct((L, L), jnp.int32),
            jax.ShapeDtypeStruct((NTAB, D_PAIR), jnp.float32),
        ),
    )(seq_r, seq_c, idx_r, idx_c, bond_feats, same_chain, emb_res_w,
      emb_atom_w, emb_chain_w)


def _sc_gather_body(cidx_hbm, table_hbm, out_hbm, idx_v, rows_v, tab_sh,
                    gsem, wsem):
    wid = lax.axis_index("s") * _NC + lax.axis_index("c")
    base = wid * PER_W
    i0 = wid * ROWS_W
    pltpu.sync_copy(cidx_hbm.at[pl.ds(base, PER_W)], idx_v)

    @pl.when(lax.axis_index("s") == 0)
    def _():
        pltpu.sync_copy(table_hbm, tab_sh)

    plsc.subcore_barrier()

    def body(t, carry):
        for b in range(NBUF):
            blk = t * NBUF + b
            off = pl.multiple_of(blk * BLOCK, BLOCK)
            i = i0 + blk // (L // BLOCK)
            j0 = (blk % (L // BLOCK)) * BLOCK

            @pl.when(t > 0)
            def _(b=b):
                pltpu.make_async_copy(
                    rows_v.at[b], out_hbm.at[0, i0, pl.ds(0, BLOCK)],
                    wsem.at[b]).wait()

            handles = []
            for k in range(BLOCK // CHUNK):
                handles.append(pltpu.async_copy(
                    tab_sh.at[idx_v.at[pl.ds(off + k * CHUNK, CHUNK)]],
                    rows_v.at[b, pl.ds(k * CHUNK, CHUNK)],
                    gsem.at[b]))
            for h in handles:
                h.wait()
            pltpu.async_copy(rows_v.at[b],
                             out_hbm.at[0, i, pl.ds(j0, BLOCK)],
                             wsem.at[b])
        return carry

    lax.fori_loop(0, NGROUP, body, 0)
    for b in range(NBUF):
        pltpu.make_async_copy(rows_v.at[b],
                              out_hbm.at[0, i0, pl.ds(0, BLOCK)],
                              wsem.at[b]).wait()


_SC_GATHER_CACHE = []


def _sc_gather(cidx_flat, table):
    if not _SC_GATHER_CACHE:
        _SC_GATHER_CACHE.append(functools.partial(
            pl.kernel,
            mesh=plsc.VectorSubcoreMesh(core_axis_name="c",
                                        subcore_axis_name="s"),
            out_type=jax.ShapeDtypeStruct((1, L, L, D_PAIR), jnp.float32),
            scratch_types=[
                pltpu.VMEM((PER_W,), jnp.int32),
                pltpu.VMEM((NBUF, BLOCK, D_PAIR), jnp.float32),
                pltpu.VMEM_SHARED((NTAB, D_PAIR), jnp.float32),
                pltpu.SemaphoreType.DMA((NBUF,)),
                pltpu.SemaphoreType.DMA((NBUF,)),
            ],
            compiler_params=pltpu.CompilerParams(use_tc_tiling_on_sc=False),
        )(_sc_gather_body))
    return _SC_GATHER_CACHE[0](cidx_flat, table)


def kernel(seq, idx, bond_feats, same_chain, emb_res_w, emb_atom_w,
           emb_chain_w):
    seq = seq.astype(jnp.int32)
    idx = idx.astype(jnp.int32)
    bond_feats = bond_feats.astype(jnp.int32)
    same_chain = same_chain.astype(jnp.int32)
    seq_r = seq.reshape(1, L)
    seq_c = seq.reshape(L, 1)
    idx_r = idx.reshape(1, L)
    idx_c = idx.reshape(L, 1)
    cidx, table = _index_and_table(seq_r, seq_c, idx_r, idx_c, bond_feats,
                                   same_chain, emb_res_w, emb_atom_w,
                                   emb_chain_w)
    return _sc_gather(cidx.reshape(P), table)

# --- scband reference (transcript-rebuilt; emitter-appended) ---
"""Pipeline reference for scband-positional-encoding2-d-42356967473471 (READ-ONLY COPY).

The authoritative reference and input builder live on the scoring server;
editing this copy changes nothing except your own understanding.
"""

import jax, jax.numpy as jnp
import numpy as np

MINPOS = -32
MAXPOS = 32
MAXPOS_ATOM = 8
NBIN_RES = abs(MINPOS) + MAXPOS + 2
NBIN_ATOM = MAXPOS_ATOM + 2
D_PAIR = 192
ATOM_TOKEN_START = 32


def is_atom(seq):
    return seq >= ATOM_TOKEN_START


def get_bond_distances(bond_feats):
    # bond_feats: (L, L) int; bond types 1..4 are covalent bonds
    adj = ((bond_feats > 0) & (bond_feats < 5)).astype(jnp.float32)
    L = adj.shape[-1]
    big = float(MAXPOS_ATOM + 1)
    eye = jnp.eye(L, dtype=jnp.float32)
    dist = jnp.where(adj > 0, 1.0, big)
    dist = jnp.where(eye > 0, 0.0, dist)
    reach = jnp.clip(adj + eye, 0.0, 1.0)
    cur = reach
    for k in range(2, MAXPOS_ATOM + 1):
        cur = (jnp.matmul(cur, reach) > 0).astype(jnp.float32)
        newly = (cur > 0) & (dist >= big)
        dist = jnp.where(newly, float(k), dist)
    return dist


def get_res_atom_dist(idx, bond_feats, sm_mask):
    # idx: (B, L) int residue indices; bond_feats: (B, L, L); sm_mask: (L,) bool
    sm_mask_2d = sm_mask[:, None] & sm_mask[None, :]
    res_dist = jnp.clip(idx[:, None, :] - idx[:, :, None], MINPOS, MAXPOS)
    res_dist = jnp.where(sm_mask_2d[None, :, :], MAXPOS + 1, res_dist)
    atom_d = jax.vmap(get_bond_distances)(bond_feats.astype(jnp.int32))
    atom_dist = jnp.clip(atom_d, 0.0, float(MAXPOS_ATOM)).astype(jnp.int32)
    atom_dist = jnp.where(sm_mask_2d[None, :, :], atom_dist, MAXPOS_ATOM + 1)
    return res_dist, atom_dist


def setup_inputs(seed: int = 0) -> dict:
    key = jax.random.key(seed)
    ks = jax.random.split(key, 8)
    B, L = 1, 512
    seq = jax.random.randint(ks[0], (B, L), 0, 48)
    idx = jnp.sort(jax.random.randint(ks[1], (B, L), 0, 600), axis=-1)
    bond_feats = jax.random.randint(ks[2], (B, L, L), 0, 7)
    same_chain = jax.random.randint(ks[3], (B, L, L), 0, 2)
    emb_res_w = jax.random.normal(ks[4], (NBIN_RES, D_PAIR), dtype=jnp.float32)
    emb_atom_w = jax.random.normal(ks[5], (NBIN_ATOM, D_PAIR), dtype=jnp.float32)
    emb_chain_w = jax.random.normal(ks[6], (2, D_PAIR), dtype=jnp.float32)
    return {"seq": seq, "idx": idx, "bond_feats": bond_feats, "same_chain": same_chain,
            "emb_res_w": emb_res_w, "emb_atom_w": emb_atom_w, "emb_chain_w": emb_chain_w}


def reference(seq, idx, bond_feats, same_chain, emb_res_w, emb_atom_w, emb_chain_w):
    sm_mask = is_atom(seq[0])
    res_dist, atom_dist = get_res_atom_dist(idx, bond_feats, sm_mask)
    bins_res = jnp.arange(MINPOS, MAXPOS + 1)
    ib_res = jnp.searchsorted(bins_res, res_dist, side='left')  # torch.bucketize(right=False)
    emb_res = jnp.take(emb_res_w, ib_res, axis=0)
    bins_atom = jnp.arange(0, MAXPOS_ATOM + 1)
    ib_atom = jnp.searchsorted(bins_atom, atom_dist, side='left')
    emb_atom = jnp.take(emb_atom_w, ib_atom, axis=0)
    out = emb_res + emb_atom
    emb_c = jnp.take(emb_chain_w, same_chain.astype(jnp.int32), axis=0)
    out = out + emb_c
    return out

if __name__ == "__main__":
    import jax
    _d = setup_inputs()
    print(jax.jit(kernel)(*tuple(_d.values())))

</pallas_src>

<mosaic_0001>
#map = affine_map<(d0, d1) -> (0)>
#map1 = affine_map<(d0, d1) -> (0, 0)>
#map2 = affine_map<(d0, d1) -> (0, 0, 0, 0)>
module attributes {stable_mosaic.version = 14 : i64} {
  func.func @_sc_gather_body(%arg0: i32, %arg1: i32, %arg2: memref<262144xi32, #tpu.memory_space<hbm>>, %arg3: memref<1320x192xf32, #tpu.memory_space<hbm>>, %arg4: memref<1x512x512x192xf32, #tpu.memory_space<hbm>>, %arg5: memref<8192xi32, #tpu.memory_space<vmem>>, %arg6: memref<4x128x192xf32, #tpu.memory_space<vmem>>, %arg7: memref<1320x192xf32, #tpu.memory_space<vmem_shared>>, %arg8: memref<4x!tpu.dma_semaphore, #tpu.memory_space<semaphore_mem>>, %arg9: memref<4x!tpu.dma_semaphore, #tpu.memory_space<semaphore_mem>>) attributes {dimension_semantics = [#tpu.dimension_semantics<core_parallel>, #tpu.dimension_semantics<subcore_parallel>], iteration_bounds = array<i64: 2, 16>, scalar_prefetch = 0 : i64, scratch_operands = 5 : i64, tpu.core_type = #tpu.core_type<sc_vector_subcore>, window_params = [{transform_indices = #map}, {transform_indices = #map1}, {transform_indices = #map2}]} {
    %mul3A = arith.constant 2 : i32
    %mul3A_0 = arith.muli %arg1, %mul3A : i32
    %add3A = arith.addi %mul3A_0, %arg0 : i32
    %mul3A_1 = arith.constant 8192 : i32
    %mul3A_2 = arith.muli %add3A, %mul3A_1 : i32
    %mul3A_3 = arith.constant 16 : i32
    %mul3A_4 = arith.muli %add3A, %mul3A_3 : i32
    "tpu.region"() ({
      %run_scoped3A = tpu.sem_alloc : memref<!tpu.dma_semaphore, #tpu.memory_space<semaphore_mem>>
      %dma_start3A = tpu.memref_slice %arg2[%mul3A_2] : memref<262144xi32, #tpu.memory_space<hbm>> -> memref<8192xi32, #tpu.memory_space<hbm>>
      %dma_start3A_95 = tpu.memref_slice %arg2[%mul3A_2] : memref<262144xi32, #tpu.memory_space<hbm>> -> memref<8192xi32, #tpu.memory_space<hbm>>
      tpu.enqueue_dma source(%dma_start3A_95 : memref<8192xi32, #tpu.memory_space<hbm>>) target(%arg5 : memref<8192xi32, #tpu.memory_space<vmem>>) target_semaphore(%run_scoped3A : memref<!tpu.dma_semaphore, #tpu.memory_space<semaphore_mem>>)
      %dma_wait3A_96 = tpu.memref_slice %arg2[%mul3A_2] : memref<262144xi32, #tpu.memory_space<hbm>> -> memref<8192xi32, #tpu.memory_space<hbm>>
      %dma_wait3A_97 = tpu.memref_slice %arg2[%mul3A_2] : memref<262144xi32, #tpu.memory_space<hbm>> -> memref<8192xi32, #tpu.memory_space<hbm>>
      tpu.wait_dma2 semaphore(%run_scoped3A : memref<!tpu.dma_semaphore, #tpu.memory_space<semaphore_mem>>) src(%dma_wait3A_97 : memref<8192xi32, #tpu.memory_space<hbm>>) dst(%arg5 : memref<8192xi32, #tpu.memory_space<vmem>>)
      tpu.yield
    }) : () -> ()
    %eq3A = arith.constant 0 : i32
    %eq3A_5 = arith.cmpi eq, %arg1, %eq3A : i32
    %convert_element_type3A = arith.extui %eq3A_5 : i1 to i32
    %cond3A = arith.constant 0 : i32
    %cond3A_6 = arith.cmpi ne, %convert_element_type3A, %cond3A : i32
    scf.if %cond3A_6 {
      "tpu.region"() ({
        %run_scoped3A = tpu.sem_alloc : memref<!tpu.dma_semaphore, #tpu.memory_space<semaphore_mem>>
        tpu.enqueue_dma source(%arg3 : memref<1320x192xf32, #tpu.memory_space<hbm>>) target(%arg7 : memref<1320x192xf32, #tpu.memory_space<vmem_shared>>) target_semaphore(%run_scoped3A : memref<!tpu.dma_semaphore, #tpu.memory_space<semaphore_mem>>)
        tpu.wait_dma2 semaphore(%run_scoped3A : memref<!tpu.dma_semaphore, #tpu.memory_space<semaphore_mem>>) src(%arg3 : memref<1320x192xf32, #tpu.memory_space<hbm>>) dst(%arg7 : memref<1320x192xf32, #tpu.memory_space<vmem_shared>>)
        tpu.yield
      }) : () -> ()
    } else {
    }
    %barrier3A = arith.constant 0 : index
    tpu.barrier barrier_id(%barrier3A)
    %scan3A = arith.constant 0 : i32
    %scan3A_7 = arith.constant 0 : i32
    %scan3A_8 = arith.constant 16 : i32
    %scan3A_9 = arith.addi %scan3A_7, %scan3A_8 : i32
    %scan3A_10 = arith.constant 1 : i32
    scf.for %scan3A_95 = %scan3A_7 to %scan3A_9 step %scan3A_10  : i32 {
      %mul3A_96 = arith.constant 4 : i32
      %mul3A_97 = arith.muli %scan3A_95, %mul3A_96 : i32
      %add3A_98 = arith.constant 0 : i32
      %add3A_99 = arith.addi %mul3A_97, %add3A_98 : i32
      %mul3A_100 = arith.constant 128 : i32
      %mul3A_101 = arith.muli %add3A_99, %mul3A_100 : i32
      %multiple_of3A = tpu.assume_multiple %mul3A_101, 128 : i32
      %jit3A = arith.constant 4 : i32
      %div3A = arith.divsi %add3A_99, %jit3A : i32
      %sign3A = arith.constant 0 : i32
      %sign3A_102 = arith.cmpi sgt, %add3A_99, %sign3A : i32
      %sign3A_103 = arith.extui %sign3A_102 : i1 to i32
      %sign3A_104 = arith.constant 0 : i32
      %sign3A_105 = arith.cmpi slt, %add3A_99, %sign3A_104 : i32
      %sign3A_106 = arith.extui %sign3A_105 : i1 to i32
      %sign3A_107 = arith.subi %sign3A_103, %sign3A_106 : i32
      %sign3A_108 = arith.constant 0 : i32
      %sign3A_109 = arith.cmpi sgt, %jit3A, %sign3A_108 : i32
      %sign3A_110 = arith.extui %sign3A_109 : i1 to i32
      %sign3A_111 = arith.constant 0 : i32
      %sign3A_112 = arith.cmpi slt, %jit3A, %sign3A_111 : i32
      %sign3A_113 = arith.extui %sign3A_112 : i1 to i32
      %sign3A_114 = arith.subi %sign3A_110, %sign3A_113 : i32
      %ne3A = arith.cmpi ne, %sign3A_107, %sign3A_114 : i32
      %rem3A = arith.remsi %add3A_99, %jit3A : i32
      %ne3A_115 = arith.constant 0 : i32
      %ne3A_116 = arith.cmpi ne, %rem3A, %ne3A_115 : i32
      %and3A = arith.andi %ne3A, %ne3A_116 : i1
      %sub3A = arith.constant 1 : i32
      %sub3A_117 = arith.subi %div3A, %sub3A : i32
      %select_n3A = arith.select %and3A, %sub3A_117, %div3A : i32
      %add3A_118 = arith.addi %mul3A_4, %select_n3A : i32
      %jit3A_119 = arith.constant 4 : i32
      %eq3A_120 = arith.constant 0 : i32
      %eq3A_121 = arith.cmpi eq, %jit3A_119, %eq3A_120 : i32
      %jit3A_122 = arith.constant 1 : i32
      %select_n3A_123 = arith.select %eq3A_121, %jit3A_122, %jit3A_119 : i32
      %rem3A_124 = arith.remsi %add3A_99, %select_n3A_123 : i32
      %ne3A_125 = arith.constant 0 : i32
      %ne3A_126 = arith.cmpi ne, %rem3A_124, %ne3A_125 : i32
      %lt3A = arith.constant 0 : i32
      %lt3A_127 = arith.cmpi slt, %rem3A_124, %lt3A : i32
      %lt3A_128 = arith.constant 0 : i32
      %lt3A_129 = arith.cmpi slt, %select_n3A_123, %lt3A_128 : i32
      %ne3A_130 = arith.xori %lt3A_127, %lt3A_129 : i1
      %and3A_131 = arith.andi %ne3A_130, %ne3A_126 : i1
      %add3A_132 = arith.addi %rem3A_124, %select_n3A_123 : i32
      %select_n3A_133 = arith.select %and3A_131, %add3A_132, %rem3A_124 : i32
      %mul3A_134 = arith.constant 128 : i32
      %mul3A_135 = arith.muli %select_n3A_133, %mul3A_134 : i32
      %gt3A = arith.constant 0 : i32
      %gt3A_136 = arith.cmpi sgt, %scan3A_95, %gt3A : i32
      %convert_element_type3A_137 = arith.extui %gt3A_136 : i1 to i32
      %cond3A_138 = arith.constant 0 : i32
      %cond3A_139 = arith.cmpi ne, %convert_element_type3A_137, %cond3A_138 : i32
      scf.if %cond3A_139 {
        %dma_wait3A_484 = arith.constant 0 : i32
        %dma_wait3A_485 = arith.constant 0 : i32
        %dma_wait3A_486 = arith.constant 0 : i32
        %dma_wait3A_487 = arith.constant 0 : i32
        %dma_wait3A_488 = arith.constant 0 : i32
        %dma_wait3A_489 = tpu.memref_slice %arg6[%dma_wait3A_484, %dma_wait3A_487, %dma_wait3A_488] : memref<4x128x192xf32, #tpu.memory_space<vmem>> -> memref<1x128x192xf32, #tpu.memory_space<vmem>>
        %dma_wait3A_490 = tpu.memref_squeeze %dma_wait3A_489 : memref<1x128x192xf32, #tpu.memory_space<vmem>> -> memref<128x192xf32, #tpu.memory_space<vmem>>
        %dma_wait3A_491 = arith.constant 0 : i32
        %dma_wait3A_492 = arith.constant 0 : i32
        %dma_wait3A_493 = tpu.memref_slice %arg4[%dma_wait3A_485, %mul3A_4, %dma_wait3A_491, %dma_wait3A_492] : memref<1x512x512x192xf32, #tpu.memory_space<hbm>> -> memref<1x1x128x192xf32, #tpu.memory_space<hbm>>
        %dma_wait3A_494 = tpu.memref_squeeze %dma_wait3A_493 : memref<1x1x128x192xf32, #tpu.memory_space<hbm>> -> memref<128x192xf32, #tpu.memory_space<hbm>>
        %dma_wait3A_495 = tpu.memref_slice %arg9[%dma_wait3A_486] : memref<4x!tpu.dma_semaphore, #tpu.memory_space<semaphore_mem>> -> memref<1x!tpu.dma_semaphore, #tpu.memory_space<semaphore_mem>>
        %dma_wait3A_496 = tpu.memref_squeeze %dma_wait3A_495 : memref<1x!tpu.dma_semaphore, #tpu.memory_space<semaphore_mem>> -> memref<!tpu.dma_semaphore, #tpu.memory_space<semaphore_mem>>
        %dma_wait3A_497 = arith.constant 0 : i32
        %dma_wait3A_498 = arith.constant 0 : i32
        %dma_wait3A_499 = tpu.memref_slice %arg4[%dma_wait3A_485, %mul3A_4, %dma_wait3A_497, %dma_wait3A_498] : memref<1x512x512x192xf32, #tpu.memory_space<hbm>> -> memref<1x1x128x192xf32, #tpu.memory_space<hbm>>
        %dma_wait3A_500 = tpu.memref_squeeze %dma_wait3A_499 : memref<1x1x128x192xf32, #tpu.memory_space<hbm>> -> memref<128x192xf32, #tpu.memory_space<hbm>>
        %dma_wait3A_501 = arith.constant 0 : i32
        %dma_wait3A_502 = arith.constant 0 : i32
        %dma_wait3A_503 = tpu.memref_slice %arg6[%dma_wait3A_484, %dma_wait3A_501, %dma_wait3A_502] : memref<4x128x192xf32, #tpu.memory_space<vmem>> -> memref<1x128x192xf32, #tpu.memory_space<vmem>>
        %dma_wait3A_504 = tpu.memref_squeeze %dma_wait3A_503 : memref<1x128x192xf32, #tpu.memory_space<vmem>> -> memref<128x192xf32, #tpu.memory_space<vmem>>
        tpu.wait_dma2 semaphore(%dma_wait3A_496 : memref<!tpu.dma_semaphore, #tpu.memory_space<semaphore_mem>>) src(%dma_wait3A_504 : memref<128x192xf32, #tpu.memory_space<vmem>>) dst(%dma_wait3A_500 : memref<128x192xf32, #tpu.memory_space<hbm>>)
      } else {
      }
      %add3A_140 = arith.constant 0 : i32
      %add3A_141 = arith.addi %multiple_of3A, %add3A_140 : i32
      %dma_start3A = arith.constant 0 : i32
      %dma_start3A_142 = arith.constant 0 : i32
      %dma_start3A_143 = arith.constant 0 : i32
      %dma_start3A_144 = arith.constant 0 : i32
      %dma_start3A_145 = tpu.memref_slice %arg6[%dma_start3A, %dma_start3A_143, %dma_start3A_144] : memref<4x128x192xf32, #tpu.memory_space<vmem>> -> memref<1x128x192xf32, #tpu.memory_space<vmem>>
      %dma_start3A_146 = tpu.memref_squeeze %dma_start3A_145 : memref<1x128x192xf32, #tpu.memory_space<vmem>> -> memref<128x192xf32, #tpu.memory_space<vmem>>
      %dma_start3A_147 = tpu.memref_slice %arg5[%add3A_141] : memref<8192xi32, #tpu.memory_space<vmem>> -> memref<128xi32, #tpu.memory_space<vmem>>
      %dma_start3A_148 = arith.constant 0 : i32
      %dma_start3A_149 = arith.constant 0 : i32
      %dma_start3A_150 = tpu.memref_slice %arg7[%dma_start3A_148, %dma_start3A_149] : memref<1320x192xf32, #tpu.memory_space<vmem_shared>> -> memref<1320x192xf32, #tpu.memory_space<vmem_shared>>
      %dma_start3A_151 = tpu.memref_slice %arg8[%dma_start3A_142] : memref<4x!tpu.dma_semaphore, #tpu.memory_space<semaphore_mem>> -> memref<1x!tpu.dma_semaphore, #tpu.memory_space<semaphore_mem>>
      %dma_start3A_152 = tpu.memref_squeeze %dma_start3A_151 : memref<1x!tpu.dma_semaphore, #tpu.memory_space<semaphore_mem>> -> memref<!tpu.dma_semaphore, #tpu.memory_space<semaphore_mem>>
      tpu.enqueue_indirect_dma source(%dma_start3A_150 : memref<1320x192xf32, #tpu.memory_space<vmem_shared>>) target(%dma_start3A_146 : memref<128x192xf32, #tpu.memory_space<vmem>>) offsets(%dma_start3A_147 : memref<128xi32, #tpu.memory_space<vmem>>) semaphore(%dma_start3A_152 : memref<!tpu.dma_semaphore, #tpu.memory_space<semaphore_mem>>)
      %dma_wait3A_153 = arith.constant 0 : i32
      %dma_wait3A_154 = arith.constant 0 : i32
      %dma_wait3A_155 = arith.constant 0 : i32
      %dma_wait3A_156 = arith.constant 0 : i32
      %dma_wait3A_157 = tpu.memref_slice %arg6[%dma_wait3A_153, %dma_wait3A_155, %dma_wait3A_156] : memref<4x128x192xf32, #tpu.memory_space<vmem>> -> memref<1x128x192xf32, #tpu.memory_space<vmem>>
      %dma_wait3A_158 = tpu.memref_squeeze %dma_wait3A_157 : memref<1x128x192xf32, #tpu.memory_space<vmem>> -> memref<128x192xf32, #tpu.memory_space<vmem>>
      %dma_wait3A_159 = tpu.memref_slice %arg5[%add3A_141] : memref<8192xi32, #tpu.memory_space<vmem>> -> memref<128xi32, #tpu.memory_space<vmem>>
      %dma_wait3A_160 = arith.constant 0 : i32
      %dma_wait3A_161 = arith.constant 0 : i32
      %dma_wait3A_162 = tpu.memref_slice %arg7[%dma_wait3A_160, %dma_wait3A_161] : memref<1320x192xf32, #tpu.memory_space<vmem_shared>> -> memref<1320x192xf32, #tpu.memory_space<vmem_shared>>
      %dma_wait3A_163 = tpu.memref_slice %arg8[%dma_wait3A_154] : memref<4x!tpu.dma_semaphore, #tpu.memory_space<semaphore_mem>> -> memref<1x!tpu.dma_semaphore, #tpu.memory_space<semaphore_mem>>
      %dma_wait3A_164 = tpu.memref_squeeze %dma_wait3A_163 : memref<1x!tpu.dma_semaphore, #tpu.memory_space<semaphore_mem>> -> memref<!tpu.dma_semaphore, #tpu.memory_space<semaphore_mem>>
      tpu.wait_indirect_dma semaphore(%dma_wait3A_164 : memref<!tpu.dma_semaphore, #tpu.memory_space<semaphore_mem>>) src(%dma_wait3A_162 : memref<1320x192xf32, #tpu.memory_space<vmem_shared>>) dst(%dma_wait3A_158 : memref<128x192xf32, #tpu.memory_space<vmem>>)
      %dma_start3A_165 = arith.constant 0 : i32
      %dma_start3A_166 = arith.constant 0 : i32
      %dma_start3A_167 = arith.constant 0 : i32
      %dma_start3A_168 = arith.constant 0 : i32
      %dma_start3A_169 = arith.constant 0 : i32
      %dma_start3A_170 = tpu.memref_slice %arg6[%dma_start3A_165, %dma_start3A_168, %dma_start3A_169] : memref<4x128x192xf32, #tpu.memory_space<vmem>> -> memref<1x128x192xf32, #tpu.memory_space<vmem>>
      %dma_start3A_171 = tpu.memref_squeeze %dma_start3A_170 : memref<1x128x192xf32, #tpu.memory_space<vmem>> -> memref<128x192xf32, #tpu.memory_space<vmem>>
      %dma_start3A_172 = arith.constant 0 : i32
      %dma_start3A_173 = tpu.memref_slice %arg4[%dma_start3A_166, %add3A_118, %mul3A_135, %dma_start3A_172] : memref<1x512x512x192xf32, #tpu.memory_space<hbm>> -> memref<1x1x128x192xf32, #tpu.memory_space<hbm>>
      %dma_start3A_174 = tpu.memref_squeeze %dma_start3A_173 : memref<1x1x128x192xf32, #tpu.memory_space<hbm>> -> memref<128x192xf32, #tpu.memory_space<hbm>>
      %dma_start3A_175 = tpu.memref_slice %arg9[%dma_start3A_167] : memref<4x!tpu.dma_semaphore, #tpu.memory_space<semaphore_mem>> -> memref<1x!tpu.dma_semaphore, #tpu.memory_space<semaphore_mem>>
      %dma_start3A_176 = tpu.memref_squeeze %dma_start3A_175 : memref<1x!tpu.dma_semaphore, #tpu.memory_space<semaphore_mem>> -> memref<!tpu.dma_semaphore, #tpu.memory_space<semaphore_mem>>
      %dma_start3A_177 = arith.constant 0 : i32
      %dma_start3A_178 = tpu.memref_slice %arg4[%dma_start3A_166, %add3A_118, %mul3A_135, %dma_start3A_177] : memref<1x512x512x192xf32, #tpu.memory_space<hbm>> -> memref<1x1x128x192xf32, #tpu.memory_space<hbm>>
      %dma_start3A_179 = tpu.memref_squeeze %dma_start3A_178 : memref<1x1x128x192xf32, #tpu.memory_space<hbm>> -> memref<128x192xf32, #tpu.memory_space<hbm>>
      %dma_start3A_180 = arith.constant 0 : i32
      %dma_start3A_181 = arith.constant 0 : i32
      %dma_start3A_182 = tpu.memref_slice %arg6[%dma_start3A_165, %dma_start3A_180, %dma_start3A_181] : memref<4x128x192xf32, #tpu.memory_space<vmem>> -> memref<1x128x192xf32, #tpu.memory_space<vmem>>
      %dma_start3A_183 = tpu.memref_squeeze %dma_start3A_182 : memref<1x128x192xf32, #tpu.memory_space<vmem>> -> memref<128x192xf32, #tpu.memory_space<vmem>>
      tpu.enqueue_dma source(%dma_start3A_183 : memref<128x192xf32, #tpu.memory_space<vmem>>) target(%dma_start3A_179 : memref<128x192xf32, #tpu.memory_space<hbm>>) target_semaphore(%dma_start3A_176 : memref<!tpu.dma_semaphore, #tpu.memory_space<semaphore_mem>>)
      %mul3A_184 = arith.constant 4 : i32
      %mul3A_185 = arith.muli %scan3A_95, %mul3A_184 : i32
      %add3A_186 = arith.constant 1 : i32
      %add3A_187 = arith.addi %mul3A_185, %add3A_186 : i32
      %mul3A_188 = arith.constant 128 : i32
      %mul3A_189 = arith.muli %add3A_187, %mul3A_188 : i32
      %multiple_of3A_190 = tpu.assume_multiple %mul3A_189, 128 : i32
      %jit3A_191 = arith.constant 4 : i32
      %div3A_192 = arith.divsi %add3A_187, %jit3A_191 : i32
      %sign3A_193 = arith.constant 0 : i32
      %sign3A_194 = arith.cmpi sgt, %add3A_187, %sign3A_193 : i32
      %sign3A_195 = arith.extui %sign3A_194 : i1 to i32
      %sign3A_196 = arith.constant 0 : i32
      %sign3A_197 = arith.cmpi slt, %add3A_187, %sign3A_196 : i32
      %sign3A_198 = arith.extui %sign3A_197 : i1 to i32
      %sign3A_199 = arith.subi %sign3A_195, %sign3A_198 : i32
      %sign3A_200 = arith.constant 0 : i32
      %sign3A_201 = arith.cmpi sgt, %jit3A_191, %sign3A_200 : i32
      %sign3A_202 = arith.extui %sign3A_201 : i1 to i32
      %sign3A_203 = arith.constant 0 : i32
      %sign3A_204 = arith.cmpi slt, %jit3A_191, %sign3A_203 : i32
      %sign3A_205 = arith.extui %sign3A_204 : i1 to i32
      %sign3A_206 = arith.subi %sign3A_202, %sign3A_205 : i32
      %ne3A_207 = arith.cmpi ne, %sign3A_199, %sign3A_206 : i32
      %rem3A_208 = arith.remsi %add3A_187, %jit3A_191 : i32
      %ne3A_209 = arith.constant 0 : i32
      %ne3A_210 = arith.cmpi ne, %rem3A_208, %ne3A_209 : i32
      %and3A_211 = arith.andi %ne3A_207, %ne3A_210 : i1
      %sub3A_212 = arith.constant 1 : i32
      %sub3A_213 = arith.subi %div3A_192, %sub3A_212 : i32
      %select_n3A_214 = arith.select %and3A_211, %sub3A_213, %div3A_192 : i32
      %add3A_215 = arith.addi %mul3A_4, %select_n3A_214 : i32
      %jit3A_216 = arith.constant 4 : i32
      %eq3A_217 = arith.constant 0 : i32
      %eq3A_218 = arith.cmpi eq, %jit3A_216, %eq3A_217 : i32
      %jit3A_219 = arith.constant 1 : i32
      %select_n3A_220 = arith.select %eq3A_218, %jit3A_219, %jit3A_216 : i32
      %rem3A_221 = arith.remsi %add3A_187, %select_n3A_220 : i32
      %ne3A_222 = arith.constant 0 : i32
      %ne3A_223 = arith.cmpi ne, %rem3A_221, %ne3A_222 : i32
      %lt3A_224 = arith.constant 0 : i32
      %lt3A_225 = arith.cmpi slt, %rem3A_221, %lt3A_224 : i32
      %lt3A_226 = arith.constant 0 : i32
      %lt3A_227 = arith.cmpi slt, %select_n3A_220, %lt3A_226 : i32
      %ne3A_228 = arith.xori %lt3A_225, %lt3A_227 : i1
      %and3A_229 = arith.andi %ne3A_228, %ne3A_223 : i1
      %add3A_230 = arith.addi %rem3A_221, %select_n3A_220 : i32
      %select_n3A_231 = arith.select %and3A_229, %add3A_230, %rem3A_221 : i32
      %mul3A_232 = arith.constant 128 : i32
      %mul3A_233 = arith.muli %select_n3A_231, %mul3A_232 : i32
      %gt3A_234 = arith.constant 0 : i32
      %gt3A_235 = arith.cmpi sgt, %scan3A_95, %gt3A_234 : i32
      %convert_element_type3A_236 = arith.extui %gt3A_235 : i1 to i32
      %cond3A_237 = arith.constant 0 : i32
      %cond3A_238 = arith.cmpi ne, %convert_element_type3A_236, %cond3A_237 : i32
      scf.if %cond3A_238 {
        %dma_wait3A_484 = arith.constant 1 : i32
        %dma_wait3A_485 = arith.constant 0 : i32
        %dma_wait3A_486 = arith.constant 1 : i32
        %dma_wait3A_487 = arith.constant 0 : i32
        %dma_wait3A_488 = arith.constant 0 : i32
        %dma_wait3A_489 = tpu.memref_slice %arg6[%dma_wait3A_484, %dma_wait3A_487, %dma_wait3A_488] : memref<4x128x192xf32, #tpu.memory_space<vmem>> -> memref<1x128x192xf32, #tpu.memory_space<vmem>>
        %dma_wait3A_490 = tpu.memref_squeeze %dma_wait3A_489 : memref<1x128x192xf32, #tpu.memory_space<vmem>> -> memref<128x192xf32, #tpu.memory_space<vmem>>
        %dma_wait3A_491 = arith.constant 0 : i32
        %dma_wait3A_492 = arith.constant 0 : i32
        %dma_wait3A_493 = tpu.memref_slice %arg4[%dma_wait3A_485, %mul3A_4, %dma_wait3A_491, %dma_wait3A_492] : memref<1x512x512x192xf32, #tpu.memory_space<hbm>> -> memref<1x1x128x192xf32, #tpu.memory_space<hbm>>
        %dma_wait3A_494 = tpu.memref_squeeze %dma_wait3A_493 : memref<1x1x128x192xf32, #tpu.memory_space<hbm>> -> memref<128x192xf32, #tpu.memory_space<hbm>>
        %dma_wait3A_495 = tpu.memref_slice %arg9[%dma_wait3A_486] : memref<4x!tpu.dma_semaphore, #tpu.memory_space<semaphore_mem>> -> memref<1x!tpu.dma_semaphore, #tpu.memory_space<semaphore_mem>>
        %dma_wait3A_496 = tpu.memref_squeeze %dma_wait3A_495 : memref<1x!tpu.dma_semaphore, #tpu.memory_space<semaphore_mem>> -> memref<!tpu.dma_semaphore, #tpu.memory_space<semaphore_mem>>
        %dma_wait3A_497 = arith.constant 0 : i32
        %dma_wait3A_498 = arith.constant 0 : i32
        %dma_wait3A_499 = tpu.memref_slice %arg4[%dma_wait3A_485, %mul3A_4, %dma_wait3A_497, %dma_wait3A_498] : memref<1x512x512x192xf32, #tpu.memory_space<hbm>> -> memref<1x1x128x192xf32, #tpu.memory_space<hbm>>
        %dma_wait3A_500 = tpu.memref_squeeze %dma_wait3A_499 : memref<1x1x128x192xf32, #tpu.memory_space<hbm>> -> memref<128x192xf32, #tpu.memory_space<hbm>>
        %dma_wait3A_501 = arith.constant 0 : i32
        %dma_wait3A_502 = arith.constant 0 : i32
        %dma_wait3A_503 = tpu.memref_slice %arg6[%dma_wait3A_484, %dma_wait3A_501, %dma_wait3A_502] : memref<4x128x192xf32, #tpu.memory_space<vmem>> -> memref<1x128x192xf32, #tpu.memory_space<vmem>>
        %dma_wait3A_504 = tpu.memref_squeeze %dma_wait3A_503 : memref<1x128x192xf32, #tpu.memory_space<vmem>> -> memref<128x192xf32, #tpu.memory_space<vmem>>
        tpu.wait_dma2 semaphore(%dma_wait3A_496 : memref<!tpu.dma_semaphore, #tpu.memory_space<semaphore_mem>>) src(%dma_wait3A_504 : memref<128x192xf32, #tpu.memory_space<vmem>>) dst(%dma_wait3A_500 : memref<128x192xf32, #tpu.memory_space<hbm>>)
      } else {
      }
      %add3A_239 = arith.constant 0 : i32
      %add3A_240 = arith.addi %multiple_of3A_190, %add3A_239 : i32
      %dma_start3A_241 = arith.constant 1 : i32
      %dma_start3A_242 = arith.constant 1 : i32
      %dma_start3A_243 = arith.constant 0 : i32
      %dma_start3A_244 = arith.constant 0 : i32
      %dma_start3A_245 = tpu.memref_slice %arg6[%dma_start3A_241, %dma_start3A_243, %dma_start3A_244] : memref<4x128x192xf32, #tpu.memory_space<vmem>> -> memref<1x128x192xf32, #tpu.memory_space<vmem>>
      %dma_start3A_246 = tpu.memref_squeeze %dma_start3A_245 : memref<1x128x192xf32, #tpu.memory_space<vmem>> -> memref<128x192xf32, #tpu.memory_space<vmem>>
      %dma_start3A_247 = tpu.memref_slice %arg5[%add3A_240] : memref<8192xi32, #tpu.memory_space<vmem>> -> memref<128xi32, #tpu.memory_space<vmem>>
      %dma_start3A_248 = arith.constant 0 : i32
      %dma_start3A_249 = arith.constant 0 : i32
      %dma_start3A_250 = tpu.memref_slice %arg7[%dma_start3A_248, %dma_start3A_249] : memref<1320x192xf32, #tpu.memory_space<vmem_shared>> -> memref<1320x192xf32, #tpu.memory_space<vmem_shared>>
      %dma_start3A_251 = tpu.memref_slice %arg8[%dma_start3A_242] : memref<4x!tpu.dma_semaphore, #tpu.memory_space<semaphore_mem>> -> memref<1x!tpu.dma_semaphore, #tpu.memory_space<semaphore_mem>>
      %dma_start3A_252 = tpu.memref_squeeze %dma_start3A_251 : memref<1x!tpu.dma_semaphore, #tpu.memory_space<semaphore_mem>> -> memref<!tpu.dma_semaphore, #tpu.memory_space<semaphore_mem>>
      tpu.enqueue_indirect_dma source(%dma_start3A_250 : memref<1320x192xf32, #tpu.memory_space<vmem_shared>>) target(%dma_start3A_246 : memref<128x192xf32, #tpu.memory_space<vmem>>) offsets(%dma_start3A_247 : memref<128xi32, #tpu.memory_space<vmem>>) semaphore(%dma_start3A_252 : memref<!tpu.dma_semaphore, #tpu.memory_space<semaphore_mem>>)
      %dma_wait3A_253 = arith.constant 1 : i32
      %dma_wait3A_254 = arith.constant 1 : i32
      %dma_wait3A_255 = arith.constant 0 : i32
      %dma_wait3A_256 = arith.constant 0 : i32
      %dma_wait3A_257 = tpu.memref_slice %arg6[%dma_wait3A_253, %dma_wait3A_255, %dma_wait3A_256] : memref<4x128x192xf32, #tpu.memory_space<vmem>> -> memref<1x128x192xf32, #tpu.memory_space<vmem>>
      %dma_wait3A_258 = tpu.memref_squeeze %dma_wait3A_257 : memref<1x128x192xf32, #tpu.memory_space<vmem>> -> memref<128x192xf32, #tpu.memory_space<vmem>>
      %dma_wait3A_259 = tpu.memref_slice %arg5[%add3A_240] : memref<8192xi32, #tpu.memory_space<vmem>> -> memref<128xi32, #tpu.memory_space<vmem>>
      %dma_wait3A_260 = arith.constant 0 : i32
      %dma_wait3A_261 = arith.constant 0 : i32
      %dma_wait3A_262 = tpu.memref_slice %arg7[%dma_wait3A_260, %dma_wait3A_261] : memref<1320x192xf32, #tpu.memory_space<vmem_shared>> -> memref<1320x192xf32, #tpu.memory_space<vmem_shared>>
      %dma_wait3A_263 = tpu.memref_slice %arg8[%dma_wait3A_254] : memref<4x!tpu.dma_semaphore, #tpu.memory_space<semaphore_mem>> -> memref<1x!tpu.dma_semaphore, #tpu.memory_space<semaphore_mem>>
      %dma_wait3A_264 = tpu.memref_squeeze %dma_wait3A_263 : memref<1x!tpu.dma_semaphore, #tpu.memory_space<semaphore_mem>> -> memref<!tpu.dma_semaphore, #tpu.memory_space<semaphore_mem>>
      tpu.wait_indirect_dma semaphore(%dma_wait3A_264 : memref<!tpu.dma_semaphore, #tpu.memory_space<semaphore_mem>>) src(%dma_wait3A_262 : memref<1320x192xf32, #tpu.memory_space<vmem_shared>>) dst(%dma_wait3A_258 : memref<128x192xf32, #tpu.memory_space<vmem>>)
      %dma_start3A_265 = arith.constant 1 : i32
      %dma_start3A_266 = arith.constant 0 : i32
      %dma_start3A_267 = arith.constant 1 : i32
      %dma_start3A_268 = arith.constant 0 : i32
      %dma_start3A_269 = arith.constant 0 : i32
      %dma_start3A_270 = tpu.memref_slice %arg6[%dma_start3A_265, %dma_start3A_268, %dma_start3A_269] : memref<4x128x192xf32, #tpu.memory_space<vmem>> -> memref<1x128x192xf32, #tpu.memory_space<vmem>>
      %dma_start3A_271 = tpu.memref_squeeze %dma_start3A_270 : memref<1x128x192xf32, #tpu.memory_space<vmem>> -> memref<128x192xf32, #tpu.memory_space<vmem>>
      %dma_start3A_272 = arith.constant 0 : i32
      %dma_start3A_273 = tpu.memref_slice %arg4[%dma_start3A_266, %add3A_215, %mul3A_233, %dma_start3A_272] : memref<1x512x512x192xf32, #tpu.memory_space<hbm>> -> memref<1x1x128x192xf32, #tpu.memory_space<hbm>>
      %dma_start3A_274 = tpu.memref_squeeze %dma_start3A_273 : memref<1x1x128x192xf32, #tpu.memory_space<hbm>> -> memref<128x192xf32, #tpu.memory_space<hbm>>
      %dma_start3A_275 = tpu.memref_slice %arg9[%dma_start3A_267] : memref<4x!tpu.dma_semaphore, #tpu.memory_space<semaphore_mem>> -> memref<1x!tpu.dma_semaphore, #tpu.memory_space<semaphore_mem>>
      %dma_start3A_276 = tpu.memref_squeeze %dma_start3A_275 : memref<1x!tpu.dma_semaphore, #tpu.memory_space<semaphore_mem>> -> memref<!tpu.dma_semaphore, #tpu.memory_space<semaphore_mem>>
      %dma_start3A_277 = arith.constant 0 : i32
      %dma_start3A_278 = tpu.memref_slice %arg4[%dma_start3A_266, %add3A_215, %mul3A_233, %dma_start3A_277] : memref<1x512x512x192xf32, #tpu.memory_space<hbm>> -> memref<1x1x128x192xf32, #tpu.memory_space<hbm>>
      %dma_start3A_279 = tpu.memref_squeeze %dma_start3A_278 : memref<1x1x128x192xf32, #tpu.memory_space<hbm>> -> memref<128x192xf32, #tpu.memory_space<hbm>>
      %dma_start3A_280 = arith.constant 0 : i32
      %dma_start3A_281 = arith.constant 0 : i32
      %dma_start3A_282 = tpu.memref_slice %arg6[%dma_start3A_265, %dma_start3A_280, %dma_start3A_281] : memref<4x128x192xf32, #tpu.memory_space<vmem>> -> memref<1x128x192xf32, #tpu.memory_space<vmem>>
      %dma_start3A_283 = tpu.memref_squeeze %dma_start3A_282 : memref<1x128x192xf32, #tpu.memory_space<vmem>> -> memref<128x192xf32, #tpu.memory_space<vmem>>
      tpu.enqueue_dma source(%dma_start3A_283 : memref<128x192xf32, #tpu.memory_space<vmem>>) target(%dma_start3A_279 : memref<128x192xf32, #tpu.memory_space<hbm>>) target_semaphore(%dma_start3A_276 : memref<!tpu.dma_semaphore, #tpu.memory_space<semaphore_mem>>)
      %mul3A_284 = arith.constant 4 : i32
      %mul3A_285 = arith.muli %scan3A_95, %mul3A_284 : i32
      %add3A_286 = arith.constant 2 : i32
      %add3A_287 = arith.addi %mul3A_285, %add3A_286 : i32
      %mul3A_288 = arith.constant 128 : i32
      %mul3A_289 = arith.muli %add3A_287, %mul3A_288 : i32
      %multiple_of3A_290 = tpu.assume_multiple %mul3A_289, 128 : i32
      %jit3A_291 = arith.constant 4 : i32
      %div3A_292 = arith.divsi %add3A_287, %jit3A_291 : i32
      %sign3A_293 = arith.constant 0 : i32
      %sign3A_294 = arith.cmpi sgt, %add3A_287, %sign3A_293 : i32
      %sign3A_295 = arith.extui %sign3A_294 : i1 to i32
      %sign3A_296 = arith.constant 0 : i32
      %sign3A_297 = arith.cmpi slt, %add3A_287, %sign3A_296 : i32
      %sign3A_298 = arith.extui %sign3A_297 : i1 to i32
      %sign3A_299 = arith.subi %sign3A_295, %sign3A_298 : i32
      %sign3A_300 = arith.constant 0 : i32
      %sign3A_301 = arith.cmpi sgt, %jit3A_291, %sign3A_300 : i32
      %sign3A_302 = arith.extui %sign3A_301 : i1 to i32
      %sign3A_303 = arith.constant 0 : i32
      %sign3A_304 = arith.cmpi slt, %jit3A_291, %sign3A_303 : i32
      %sign3A_305 = arith.extui %sign3A_304 : i1 to i32
      %sign3A_306 = arith.subi %sign3A_302, %sign3A_305 : i32
      %ne3A_307 = arith.cmpi ne, %sign3A_299, %sign3A_306 : i32
      %rem3A_308 = arith.remsi %add3A_287, %jit3A_291 : i32
      %ne3A_309 = arith.constant 0 : i32
      %ne3A_310 = arith.cmpi ne, %rem3A_308, %ne3A_309 : i32
      %and3A_311 = arith.andi %ne3A_307, %ne3A_310 : i1
      %sub3A_312 = arith.constant 1 : i32
      %sub3A_313 = arith.subi %div3A_292, %sub3A_312 : i32
      %select_n3A_314 = arith.select %and3A_311, %sub3A_313, %div3A_292 : i32
      %add3A_315 = arith.addi %mul3A_4, %select_n3A_314 : i32
      %jit3A_316 = arith.constant 4 : i32
      %eq3A_317 = arith.constant 0 : i32
      %eq3A_318 = arith.cmpi eq, %jit3A_316, %eq3A_317 : i32
      %jit3A_319 = arith.constant 1 : i32
      %select_n3A_320 = arith.select %eq3A_318, %jit3A_319, %jit3A_316 : i32
      %rem3A_321 = arith.remsi %add3A_287, %select_n3A_320 : i32
      %ne3A_322 = arith.constant 0 : i32
      %ne3A_323 = arith.cmpi ne, %rem3A_321, %ne3A_322 : i32
      %lt3A_324 = arith.constant 0 : i32
      %lt3A_325 = arith.cmpi slt, %rem3A_321, %lt3A_324 : i32
      %lt3A_326 = arith.constant 0 : i32
      %lt3A_327 = arith.cmpi slt, %select_n3A_320, %lt3A_326 : i32
      %ne3A_328 = arith.xori %lt3A_325, %lt3A_327 : i1
      %and3A_329 = arith.andi %ne3A_328, %ne3A_323 : i1
      %add3A_330 = arith.addi %rem3A_321, %select_n3A_320 : i32
      %select_n3A_331 = arith.select %and3A_329, %add3A_330, %rem3A_321 : i32
      %mul3A_332 = arith.constant 128 : i32
      %mul3A_333 = arith.muli %select_n3A_331, %mul3A_332 : i32
      %gt3A_334 = arith.constant 0 : i32
      %gt3A_335 = arith.cmpi sgt, %scan3A_95, %gt3A_334 : i32
      %convert_element_type3A_336 = arith.extui %gt3A_335 : i1 to i32
      %cond3A_337 = arith.constant 0 : i32
      %cond3A_338 = arith.cmpi ne, %convert_element_type3A_336, %cond3A_337 : i32
      scf.if %cond3A_338 {
        %dma_wait3A_484 = arith.constant 2 : i32
        %dma_wait3A_485 = arith.constant 0 : i32
        %dma_wait3A_486 = arith.constant 2 : i32
        %dma_wait3A_487 = arith.constant 0 : i32
        %dma_wait3A_488 = arith.constant 0 : i32
        %dma_wait3A_489 = tpu.memref_slice %arg6[%dma_wait3A_484, %dma_wait3A_487, %dma_wait3A_488] : memref<4x128x192xf32, #tpu.memory_space<vmem>> -> memref<1x128x192xf32, #tpu.memory_space<vmem>>
        %dma_wait3A_490 = tpu.memref_squeeze %dma_wait3A_489 : memref<1x128x192xf32, #tpu.memory_space<vmem>> -> memref<128x192xf32, #tpu.memory_space<vmem>>
        %dma_wait3A_491 = arith.constant 0 : i32
        %dma_wait3A_492 = arith.constant 0 : i32
        %dma_wait3A_493 = tpu.memref_slice %arg4[%dma_wait3A_485, %mul3A_4, %dma_wait3A_491, %dma_wait3A_492] : memref<1x512x512x192xf32, #tpu.memory_space<hbm>> -> memref<1x1x128x192xf32, #tpu.memory_space<hbm>>
        %dma_wait3A_494 = tpu.memref_squeeze %dma_wait3A_493 : memref<1x1x128x192xf32, #tpu.memory_space<hbm>> -> memref<128x192xf32, #tpu.memory_space<hbm>>
        %dma_wait3A_495 = tpu.memref_slice %arg9[%dma_wait3A_486] : memref<4x!tpu.dma_semaphore, #tpu.memory_space<semaphore_mem>> -> memref<1x!tpu.dma_semaphore, #tpu.memory_space<semaphore_mem>>
        %dma_wait3A_496 = tpu.memref_squeeze %dma_wait3A_495 : memref<1x!tpu.dma_semaphore, #tpu.memory_space<semaphore_mem>> -> memref<!tpu.dma_semaphore, #tpu.memory_space<semaphore_mem>>
        %dma_wait3A_497 = arith.constant 0 : i32
        %dma_wait3A_498 = arith.constant 0 : i32
        %dma_wait3A_499 = tpu.memref_slice %arg4[%dma_wait3A_485, %mul3A_4, %dma_wait3A_497, %dma_wait3A_498] : memref<1x512x512x192xf32, #tpu.memory_space<hbm>> -> memref<1x1x128x192xf32, #tpu.memory_space<hbm>>
        %dma_wait3A_500 = tpu.memref_squeeze %dma_wait3A_499 : memref<1x1x128x192xf32, #tpu.memory_space<hbm>> -> memref<128x192xf32, #tpu.memory_space<hbm>>
        %dma_wait3A_501 = arith.constant 0 : i32
        %dma_wait3A_502 = arith.constant 0 : i32
        %dma_wait3A_503 = tpu.memref_slice %arg6[%dma_wait3A_484, %dma_wait3A_501, %dma_wait3A_502] : memref<4x128x192xf32, #tpu.memory_space<vmem>> -> memref<1x128x192xf32, #tpu.memory_space<vmem>>
        %dma_wait3A_504 = tpu.memref_squeeze %dma_wait3A_503 : memref<1x128x192xf32, #tpu.memory_space<vmem>> -> memref<128x192xf32, #tpu.memory_space<vmem>>
        tpu.wait_dma2 semaphore(%dma_wait3A_496 : memref<!tpu.dma_semaphore, #tpu.memory_space<semaphore_mem>>) src(%dma_wait3A_504 : memref<128x192xf32, #tpu.memory_space<vmem>>) dst(%dma_wait3A_500 : memref<128x192xf32, #tpu.memory_space<hbm>>)
      } else {
      }
      %add3A_339 = arith.constant 0 : i32
      %add3A_340 = arith.addi %multiple_of3A_290, %add3A_339 : i32
      %dma_start3A_341 = arith.constant 2 : i32
      %dma_start3A_342 = arith.constant 2 : i32
      %dma_start3A_343 = arith.constant 0 : i32
      %dma_start3A_344 = arith.constant 0 : i32
      %dma_start3A_345 = tpu.memref_slice %arg6[%dma_start3A_341, %dma_start3A_343, %dma_start3A_344] : memref<4x128x192xf32, #tpu.memory_space<vmem>> -> memref<1x128x192xf32, #tpu.memory_space<vmem>>
      %dma_start3A_346 = tpu.memref_squeeze %dma_start3A_345 : memref<1x128x192xf32, #tpu.memory_space<vmem>> -> memref<128x192xf32, #tpu.memory_space<vmem>>
      %dma_start3A_347 = tpu.memref_slice %arg5[%add3A_340] : memref<8192xi32, #tpu.memory_space<vmem>> -> memref<128xi32, #tpu.memory_space<vmem>>
      %dma_start3A_348 = arith.constant 0 : i32
      %dma_start3A_349 = arith.constant 0 : i32
      %dma_start3A_350 = tpu.memref_slice %arg7[%dma_start3A_348, %dma_start3A_349] : memref<1320x192xf32, #tpu.memory_space<vmem_shared>> -> memref<1320x192xf32, #tpu.memory_space<vmem_shared>>
      %dma_start3A_351 = tpu.memref_slice %arg8[%dma_start3A_342] : memref<4x!tpu.dma_semaphore, #tpu.memory_space<semaphore_mem>> -> memref<1x!tpu.dma_semaphore, #tpu.memory_space<semaphore_mem>>
      %dma_start3A_352 = tpu.memref_squeeze %dma_start3A_351 : memref<1x!tpu.dma_semaphore, #tpu.memory_space<semaphore_mem>> -> memref<!tpu.dma_semaphore, #tpu.memory_space<semaphore_mem>>
      tpu.enqueue_indirect_dma source(%dma_start3A_350 : memref<1320x192xf32, #tpu.memory_space<vmem_shared>>) target(%dma_start3A_346 : memref<128x192xf32, #tpu.memory_space<vmem>>) offsets(%dma_start3A_347 : memref<128xi32, #tpu.memory_space<vmem>>) semaphore(%dma_start3A_352 : memref<!tpu.dma_semaphore, #tpu.memory_space<semaphore_mem>>)
      %dma_wait3A_353 = arith.constant 2 : i32
      %dma_wait3A_354 = arith.constant 2 : i32
      %dma_wait3A_355 = arith.constant 0 : i32
      %dma_wait3A_356 = arith.constant 0 : i32
      %dma_wait3A_357 = tpu.memref_slice %arg6[%dma_wait3A_353, %dma_wait3A_355, %dma_wait3A_356] : memref<4x128x192xf32, #tpu.memory_space<vmem>> -> memref<1x128x192xf32, #tpu.memory_space<vmem>>
      %dma_wait3A_358 = tpu.memref_squeeze %dma_wait3A_357 : memref<1x128x192xf32, #tpu.memory_space<vmem>> -> memref<128x192xf32, #tpu.memory_space<vmem>>
      %dma_wait3A_359 = tpu.memref_slice %arg5[%add3A_340] : memref<8192xi32, #tpu.memory_space<vmem>> -> memref<128xi32, #tpu.memory_space<vmem>>
      %dma_wait3A_360 = arith.constant 0 : i32
      %dma_wait3A_361 = arith.constant 0 : i32
      %dma_wait3A_362 = tpu.memref_slice %arg7[%dma_wait3A_360, %dma_wait3A_361] : memref<1320x192xf32, #tpu.memory_space<vmem_shared>> -> memref<1320x192xf32, #tpu.memory_space<vmem_shared>>
      %dma_wait3A_363 = tpu.memref_slice %arg8[%dma_wait3A_354] : memref<4x!tpu.dma_semaphore, #tpu.memory_space<semaphore_mem>> -> memref<1x!tpu.dma_semaphore, #tpu.memory_space<semaphore_mem>>
      %dma_wait3A_364 = tpu.memref_squeeze %dma_wait3A_363 : memref<1x!tpu.dma_semaphore, #tpu.memory_space<semaphore_mem>> -> memref<!tpu.dma_semaphore, #tpu.memory_space<semaphore_mem>>
      tpu.wait_indirect_dma semaphore(%dma_wait3A_364 : memref<!tpu.dma_semaphore, #tpu.memory_space<semaphore_mem>>) src(%dma_wait3A_362 : memref<1320x192xf32, #tpu.memory_space<vmem_shared>>) dst(%dma_wait3A_358 : memref<128x192xf32, #tpu.memory_space<vmem>>)
      %dma_start3A_365 = arith.constant 2 : i32
      %dma_start3A_366 = arith.constant 0 : i32
      %dma_start3A_367 = arith.constant 2 : i32
      %dma_start3A_368 = arith.constant 0 : i32
      %dma_start3A_369 = arith.constant 0 : i32
      %dma_start3A_370 = tpu.memref_slice %arg6[%dma_start3A_365, %dma_start3A_368, %dma_start3A_369] : memref<4x128x192xf32, #tpu.memory_space<vmem>> -> memref<1x128x192xf32, #tpu.memory_space<vmem>>
      %dma_start3A_371 = tpu.memref_squeeze %dma_start3A_370 : memref<1x128x192xf32, #tpu.memory_space<vmem>> -> memref<128x192xf32, #tpu.memory_space<vmem>>
      %dma_start3A_372 = arith.constant 0 : i32
      %dma_start3A_373 = tpu.memref_slice %arg4[%dma_start3A_366, %add3A_315, %mul3A_333, %dma_start3A_372] : memref<1x512x512x192xf32, #tpu.memory_space<hbm>> -> memref<1x1x128x192xf32, #tpu.memory_space<hbm>>
      %dma_start3A_374 = tpu.memref_squeeze %dma_start3A_373 : memref<1x1x128x192xf32, #tpu.memory_space<hbm>> -> memref<128x192xf32, #tpu.memory_space<hbm>>
      %dma_start3A_375 = tpu.memref_slice %arg9[%dma_start3A_367] : memref<4x!tpu.dma_semaphore, #tpu.memory_space<semaphore_mem>> -> memref<1x!tpu.dma_semaphore, #tpu.memory_space<semaphore_mem>>
      %dma_start3A_376 = tpu.memref_squeeze %dma_start3A_375 : memref<1x!tpu.dma_semaphore, #tpu.memory_space<semaphore_mem>> -> memref<!tpu.dma_semaphore, #tpu.memory_space<semaphore_mem>>
      %dma_start3A_377 = arith.constant 0 : i32
      %dma_start3A_378 = tpu.memref_slice %arg4[%dma_start3A_366, %add3A_315, %mul3A_333, %dma_start3A_377] : memref<1x512x512x192xf32, #tpu.memory_space<hbm>> -> memref<1x1x128x192xf32, #tpu.memory_space<hbm>>
      %dma_start3A_379 = tpu.memref_squeeze %dma_start3A_378 : memref<1x1x128x192xf32, #tpu.memory_space<hbm>> -> memref<128x192xf32, #tpu.memory_space<hbm>>
      %dma_start3A_380 = arith.constant 0 : i32
      %dma_start3A_381 = arith.constant 0 : i32
      %dma_start3A_382 = tpu.memref_slice %arg6[%dma_start3A_365, %dma_start3A_380, %dma_start3A_381] : memref<4x128x192xf32, #tpu.memory_space<vmem>> -> memref<1x128x192xf32, #tpu.memory_space<vmem>>
      %dma_start3A_383 = tpu.memref_squeeze %dma_start3A_382 : memref<1x128x192xf32, #tpu.memory_space<vmem>> -> memref<128x192xf32, #tpu.memory_space<vmem>>
      tpu.enqueue_dma source(%dma_start3A_383 : memref<128x192xf32, #tpu.memory_space<vmem>>) target(%dma_start3A_379 : memref<128x192xf32, #tpu.memory_space<hbm>>) target_semaphore(%dma_start3A_376 : memref<!tpu.dma_semaphore, #tpu.memory_space<semaphore_mem>>)
      %mul3A_384 = arith.constant 4 : i32
      %mul3A_385 = arith.muli %scan3A_95, %mul3A_384 : i32
      %add3A_386 = arith.constant 3 : i32
      %add3A_387 = arith.addi %mul3A_385, %add3A_386 : i32
      %mul3A_388 = arith.constant 128 : i32
      %mul3A_389 = arith.muli %add3A_387, %mul3A_388 : i32
      %multiple_of3A_390 = tpu.assume_multiple %mul3A_389, 128 : i32
      %jit3A_391 = arith.constant 4 : i32
      %div3A_392 = arith.divsi %add3A_387, %jit3A_391 : i32
      %sign3A_393 = arith.constant 0 : i32
      %sign3A_394 = arith.cmpi sgt, %add3A_387, %sign3A_393 : i32
      %sign3A_395 = arith.extui %sign3A_394 : i1 to i32
      %sign3A_396 = arith.constant 0 : i32
      %sign3A_397 = arith.cmpi slt, %add3A_387, %sign3A_396 : i32
      %sign3A_398 = arith.extui %sign3A_397 : i1 to i32
      %sign3A_399 = arith.subi %sign3A_395, %sign3A_398 : i32
      %sign3A_400 = arith.constant 0 : i32
      %sign3A_401 = arith.cmpi sgt, %jit3A_391, %sign3A_400 : i32
      %sign3A_402 = arith.extui %sign3A_401 : i1 to i32
      %sign3A_403 = arith.constant 0 : i32
      %sign3A_404 = arith.cmpi slt, %jit3A_391, %sign3A_403 : i32
      %sign3A_405 = arith.extui %sign3A_404 : i1 to i32
      %sign3A_406 = arith.subi %sign3A_402, %sign3A_405 : i32
      %ne3A_407 = arith.cmpi ne, %sign3A_399, %sign3A_406 : i32
      %rem3A_408 = arith.remsi %add3A_387, %jit3A_391 : i32
      %ne3A_409 = arith.constant 0 : i32
      %ne3A_410 = arith.cmpi ne, %rem3A_408, %ne3A_409 : i32
      %and3A_411 = arith.andi %ne3A_407, %ne3A_410 : i1
      %sub3A_412 = arith.constant 1 : i32
      %sub3A_413 = arith.subi %div3A_392, %sub3A_412 : i32
      %select_n3A_414 = arith.select %and3A_411, %sub3A_413, %div3A_392 : i32
      %add3A_415 = arith.addi %mul3A_4, %select_n3A_414 : i32
      %jit3A_416 = arith.constant 4 : i32
      %eq3A_417 = arith.constant 0 : i32
      %eq3A_418 = arith.cmpi eq, %jit3A_416, %eq3A_417 : i32
      %jit3A_419 = arith.constant 1 : i32
      %select_n3A_420 = arith.select %eq3A_418, %jit3A_419, %jit3A_416 : i32
      %rem3A_421 = arith.remsi %add3A_387, %select_n3A_420 : i32
      %ne3A_422 = arith.constant 0 : i32
      %ne3A_423 = arith.cmpi ne, %rem3A_421, %ne3A_422 : i32
      %lt3A_424 = arith.constant 0 : i32
      %lt3A_425 = arith.cmpi slt, %rem3A_421, %lt3A_424 : i32
      %lt3A_426 = arith.constant 0 : i32
      %lt3A_427 = arith.cmpi slt, %select_n3A_420, %lt3A_426 : i32
      %ne3A_428 = arith.xori %lt3A_425, %lt3A_427 : i1
      %and3A_429 = arith.andi %ne3A_428, %ne3A_423 : i1
      %add3A_430 = arith.addi %rem3A_421, %select_n3A_420 : i32
      %select_n3A_431 = arith.select %and3A_429, %add3A_430, %rem3A_421 : i32
      %mul3A_432 = arith.constant 128 : i32
      %mul3A_433 = arith.muli %select_n3A_431, %mul3A_432 : i32
      %gt3A_434 = arith.constant 0 : i32
      %gt3A_435 = arith.cmpi sgt, %scan3A_95, %gt3A_434 : i32
      %convert_element_type3A_436 = arith.extui %gt3A_435 : i1 to i32
      %cond3A_437 = arith.constant 0 : i32
      %cond3A_438 = arith.cmpi ne, %convert_element_type3A_436, %cond3A_437 : i32
      scf.if %cond3A_438 {
        %dma_wait3A_484 = arith.constant 3 : i32
        %dma_wait3A_485 = arith.constant 0 : i32
        %dma_wait3A_486 = arith.constant 3 : i32
        %dma_wait3A_487 = arith.constant 0 : i32
        %dma_wait3A_488 = arith.constant 0 : i32
        %dma_wait3A_489 = tpu.memref_slice %arg6[%dma_wait3A_484, %dma_wait3A_487, %dma_wait3A_488] : memref<4x128x192xf32, #tpu.memory_space<vmem>> -> memref<1x128x192xf32, #tpu.memory_space<vmem>>
        %dma_wait3A_490 = tpu.memref_squeeze %dma_wait3A_489 : memref<1x128x192xf32, #tpu.memory_space<vmem>> -> memref<128x192xf32, #tpu.memory_space<vmem>>
        %dma_wait3A_491 = arith.constant 0 : i32
        %dma_wait3A_492 = arith.constant 0 : i32
        %dma_wait3A_493 = tpu.memref_slice %arg4[%dma_wait3A_485, %mul3A_4, %dma_wait3A_491, %dma_wait3A_492] : memref<1x512x512x192xf32, #tpu.memory_space<hbm>> -> memref<1x1x128x192xf32, #tpu.memory_space<hbm>>
        %dma_wait3A_494 = tpu.memref_squeeze %dma_wait3A_493 : memref<1x1x128x192xf32, #tpu.memory_space<hbm>> -> memref<128x192xf32, #tpu.memory_space<hbm>>
        %dma_wait3A_495 = tpu.memref_slice %arg9[%dma_wait3A_486] : memref<4x!tpu.dma_semaphore, #tpu.memory_space<semaphore_mem>> -> memref<1x!tpu.dma_semaphore, #tpu.memory_space<semaphore_mem>>
        %dma_wait3A_496 = tpu.memref_squeeze %dma_wait3A_495 : memref<1x!tpu.dma_semaphore, #tpu.memory_space<semaphore_mem>> -> memref<!tpu.dma_semaphore, #tpu.memory_space<semaphore_mem>>
        %dma_wait3A_497 = arith.constant 0 : i32
        %dma_wait3A_498 = arith.constant 0 : i32
        %dma_wait3A_499 = tpu.memref_slice %arg4[%dma_wait3A_485, %mul3A_4, %dma_wait3A_497, %dma_wait3A_498] : memref<1x512x512x192xf32, #tpu.memory_space<hbm>> -> memref<1x1x128x192xf32, #tpu.memory_space<hbm>>
        %dma_wait3A_500 = tpu.memref_squeeze %dma_wait3A_499 : memref<1x1x128x192xf32, #tpu.memory_space<hbm>> -> memref<128x192xf32, #tpu.memory_space<hbm>>
        %dma_wait3A_501 = arith.constant 0 : i32
        %dma_wait3A_502 = arith.constant 0 : i32
        %dma_wait3A_503 = tpu.memref_slice %arg6[%dma_wait3A_484, %dma_wait3A_501, %dma_wait3A_502] : memref<4x128x192xf32, #tpu.memory_space<vmem>> -> memref<1x128x192xf32, #tpu.memory_space<vmem>>
        %dma_wait3A_504 = tpu.memref_squeeze %dma_wait3A_503 : memref<1x128x192xf32, #tpu.memory_space<vmem>> -> memref<128x192xf32, #tpu.memory_space<vmem>>
        tpu.wait_dma2 semaphore(%dma_wait3A_496 : memref<!tpu.dma_semaphore, #tpu.memory_space<semaphore_mem>>) src(%dma_wait3A_504 : memref<128x192xf32, #tpu.memory_space<vmem>>) dst(%dma_wait3A_500 : memref<128x192xf32, #tpu.memory_space<hbm>>)
      } else {
      }
      %add3A_439 = arith.constant 0 : i32
      %add3A_440 = arith.addi %multiple_of3A_390, %add3A_439 : i32
      %dma_start3A_441 = arith.constant 3 : i32
      %dma_start3A_442 = arith.constant 3 : i32
      %dma_start3A_443 = arith.constant 0 : i32
      %dma_start3A_444 = arith.constant 0 : i32
      %dma_start3A_445 = tpu.memref_slice %arg6[%dma_start3A_441, %dma_start3A_443, %dma_start3A_444] : memref<4x128x192xf32, #tpu.memory_space<vmem>> -> memref<1x128x192xf32, #tpu.memory_space<vmem>>
      %dma_start3A_446 = tpu.memref_squeeze %dma_start3A_445 : memref<1x128x192xf32, #tpu.memory_space<vmem>> -> memref<128x192xf32, #tpu.memory_space<vmem>>
      %dma_start3A_447 = tpu.memref_slice %arg5[%add3A_440] : memref<8192xi32, #tpu.memory_space<vmem>> -> memref<128xi32, #tpu.memory_space<vmem>>
      %dma_start3A_448 = arith.constant 0 : i32
      %dma_start3A_449 = arith.constant 0 : i32
      %dma_start3A_450 = tpu.memref_slice %arg7[%dma_start3A_448, %dma_start3A_449] : memref<1320x192xf32, #tpu.memory_space<vmem_shared>> -> memref<1320x192xf32, #tpu.memory_space<vmem_shared>>
      %dma_start3A_451 = tpu.memref_slice %arg8[%dma_start3A_442] : memref<4x!tpu.dma_semaphore, #tpu.memory_space<semaphore_mem>> -> memref<1x!tpu.dma_semaphore, #tpu.memory_space<semaphore_mem>>
      %dma_start3A_452 = tpu.memref_squeeze %dma_start3A_451 : memref<1x!tpu.dma_semaphore, #tpu.memory_space<semaphore_mem>> -> memref<!tpu.dma_semaphore, #tpu.memory_space<semaphore_mem>>
      tpu.enqueue_indirect_dma source(%dma_start3A_450 : memref<1320x192xf32, #tpu.memory_space<vmem_shared>>) target(%dma_start3A_446 : memref<128x192xf32, #tpu.memory_space<vmem>>) offsets(%dma_start3A_447 : memref<128xi32, #tpu.memory_space<vmem>>) semaphore(%dma_start3A_452 : memref<!tpu.dma_semaphore, #tpu.memory_space<semaphore_mem>>)
      %dma_wait3A_453 = arith.constant 3 : i32
      %dma_wait3A_454 = arith.constant 3 : i32
      %dma_wait3A_455 = arith.constant 0 : i32
      %dma_wait3A_456 = arith.constant 0 : i32
      %dma_wait3A_457 = tpu.memref_slice %arg6[%dma_wait3A_453, %dma_wait3A_455, %dma_wait3A_456] : memref<4x128x192xf32, #tpu.memory_space<vmem>> -> memref<1x128x192xf32, #tpu.memory_space<vmem>>
      %dma_wait3A_458 = tpu.memref_squeeze %dma_wait3A_457 : memref<1x128x192xf32, #tpu.memory_space<vmem>> -> memref<128x192xf32, #tpu.memory_space<vmem>>
      %dma_wait3A_459 = tpu.memref_slice %arg5[%add3A_440] : memref<8192xi32, #tpu.memory_space<vmem>> -> memref<128xi32, #tpu.memory_space<vmem>>
      %dma_wait3A_460 = arith.constant 0 : i32
      %dma_wait3A_461 = arith.constant 0 : i32
      %dma_wait3A_462 = tpu.memref_slice %arg7[%dma_wait3A_460, %dma_wait3A_461] : memref<1320x192xf32, #tpu.memory_space<vmem_shared>> -> memref<1320x192xf32, #tpu.memory_space<vmem_shared>>
      %dma_wait3A_463 = tpu.memref_slice %arg8[%dma_wait3A_454] : memref<4x!tpu.dma_semaphore, #tpu.memory_space<semaphore_mem>> -> memref<1x!tpu.dma_semaphore, #tpu.memory_space<semaphore_mem>>
      %dma_wait3A_464 = tpu.memref_squeeze %dma_wait3A_463 : memref<1x!tpu.dma_semaphore, #tpu.memory_space<semaphore_mem>> -> memref<!tpu.dma_semaphore, #tpu.memory_space<semaphore_mem>>
      tpu.wait_indirect_dma semaphore(%dma_wait3A_464 : memref<!tpu.dma_semaphore, #tpu.memory_space<semaphore_mem>>) src(%dma_wait3A_462 : memref<1320x192xf32, #tpu.memory_space<vmem_shared>>) dst(%dma_wait3A_458 : memref<128x192xf32, #tpu.memory_space<vmem>>)
      %dma_start3A_465 = arith.constant 3 : i32
      %dma_start3A_466 = arith.constant 0 : i32
      %dma_start3A_467 = arith.constant 3 : i32
      %dma_start3A_468 = arith.constant 0 : i32
      %dma_start3A_469 = arith.constant 0 : i32
      %dma_start3A_470 = tpu.memref_slice %arg6[%dma_start3A_465, %dma_start3A_468, %dma_start3A_469] : memref<4x128x192xf32, #tpu.memory_space<vmem>> -> memref<1x128x192xf32, #tpu.memory_space<vmem>>
      %dma_start3A_471 = tpu.memref_squeeze %dma_start3A_470 : memref<1x128x192xf32, #tpu.memory_space<vmem>> -> memref<128x192xf32, #tpu.memory_space<vmem>>
      %dma_start3A_472 = arith.constant 0 : i32
      %dma_start3A_473 = tpu.memref_slice %arg4[%dma_start3A_466, %add3A_415, %mul3A_433, %dma_start3A_472] : memref<1x512x512x192xf32, #tpu.memory_space<hbm>> -> memref<1x1x128x192xf32, #tpu.memory_space<hbm>>
      %dma_start3A_474 = tpu.memref_squeeze %dma_start3A_473 : memref<1x1x128x192xf32, #tpu.memory_space<hbm>> -> memref<128x192xf32, #tpu.memory_space<hbm>>
      %dma_start3A_475 = tpu.memref_slice %arg9[%dma_start3A_467] : memref<4x!tpu.dma_semaphore, #tpu.memory_space<semaphore_mem>> -> memref<1x!tpu.dma_semaphore, #tpu.memory_space<semaphore_mem>>
      %dma_start3A_476 = tpu.memref_squeeze %dma_start3A_475 : memref<1x!tpu.dma_semaphore, #tpu.memory_space<semaphore_mem>> -> memref<!tpu.dma_semaphore, #tpu.memory_space<semaphore_mem>>
      %dma_start3A_477 = arith.constant 0 : i32
      %dma_start3A_478 = tpu.memref_slice %arg4[%dma_start3A_466, %add3A_415, %mul3A_433, %dma_start3A_477] : memref<1x512x512x192xf32, #tpu.memory_space<hbm>> -> memref<1x1x128x192xf32, #tpu.memory_space<hbm>>
      %dma_start3A_479 = tpu.memref_squeeze %dma_start3A_478 : memref<1x1x128x192xf32, #tpu.memory_space<hbm>> -> memref<128x192xf32, #tpu.memory_space<hbm>>
      %dma_start3A_480 = arith.constant 0 : i32
      %dma_start3A_481 = arith.constant 0 : i32
      %dma_start3A_482 = tpu.memref_slice %arg6[%dma_start3A_465, %dma_start3A_480, %dma_start3A_481] : memref<4x128x192xf32, #tpu.memory_space<vmem>> -> memref<1x128x192xf32, #tpu.memory_space<vmem>>
      %dma_start3A_483 = tpu.memref_squeeze %dma_start3A_482 : memref<1x128x192xf32, #tpu.memory_space<vmem>> -> memref<128x192xf32, #tpu.memory_space<vmem>>
      tpu.enqueue_dma source(%dma_start3A_483 : memref<128x192xf32, #tpu.memory_space<vmem>>) target(%dma_start3A_479 : memref<128x192xf32, #tpu.memory_space<hbm>>) target_semaphore(%dma_start3A_476 : memref<!tpu.dma_semaphore, #tpu.memory_space<semaphore_mem>>)
    }
    %scan3A_11 = arith.constant 16 : i32
    %dma_wait3A = arith.constant 0 : i32
    %dma_wait3A_12 = arith.constant 0 : i32
    %dma_wait3A_13 = arith.constant 0 : i32
    %dma_wait3A_14 = arith.constant 0 : i32
    %dma_wait3A_15 = arith.constant 0 : i32
    %dma_wait3A_16 = tpu.memref_slice %arg6[%dma_wait3A, %dma_wait3A_14, %dma_wait3A_15] : memref<4x128x192xf32, #tpu.memory_space<vmem>> -> memref<1x128x192xf32, #tpu.memory_space<vmem>>
    %dma_wait3A_17 = tpu.memref_squeeze %dma_wait3A_16 : memref<1x128x192xf32, #tpu.memory_space<vmem>> -> memref<128x192xf32, #tpu.memory_space<vmem>>
    %dma_wait3A_18 = arith.constant 0 : i32
    %dma_wait3A_19 = arith.constant 0 : i32
    %dma_wait3A_20 = tpu.memref_slice %arg4[%dma_wait3A_12, %mul3A_4, %dma_wait3A_18, %dma_wait3A_19] : memref<1x512x512x192xf32, #tpu.memory_space<hbm>> -> memref<1x1x128x192xf32, #tpu.memory_space<hbm>>
    %dma_wait3A_21 = tpu.memref_squeeze %dma_wait3A_20 : memref<1x1x128x192xf32, #tpu.memory_space<hbm>> -> memref<128x192xf32, #tpu.memory_space<hbm>>
    %dma_wait3A_22 = tpu.memref_slice %arg9[%dma_wait3A_13] : memref<4x!tpu.dma_semaphore, #tpu.memory_space<semaphore_mem>> -> memref<1x!tpu.dma_semaphore, #tpu.memory_space<semaphore_mem>>
    %dma_wait3A_23 = tpu.memref_squeeze %dma_wait3A_22 : memref<1x!tpu.dma_semaphore, #tpu.memory_space<semaphore_mem>> -> memref<!tpu.dma_semaphore, #tpu.memory_space<semaphore_mem>>
    %dma_wait3A_24 = arith.constant 0 : i32
    %dma_wait3A_25 = arith.constant 0 : i32
    %dma_wait3A_26 = tpu.memref_slice %arg4[%dma_wait3A_12, %mul3A_4, %dma_wait3A_24, %dma_wait3A_25] : memref<1x512x512x192xf32, #tpu.memory_space<hbm>> -> memref<1x1x128x192xf32, #tpu.memory_space<hbm>>
    %dma_wait3A_27 = tpu.memref_squeeze %dma_wait3A_26 : memref<1x1x128x192xf32, #tpu.memory_space<hbm>> -> memref<128x192xf32, #tpu.memory_space<hbm>>
    %dma_wait3A_28 = arith.constant 0 : i32
    %dma_wait3A_29 = arith.constant 0 : i32
    %dma_wait3A_30 = tpu.memref_slice %arg6[%dma_wait3A, %dma_wait3A_28, %dma_wait3A_29] : memref<4x128x192xf32, #tpu.memory_space<vmem>> -> memref<1x128x192xf32, #tpu.memory_space<vmem>>
    %dma_wait3A_31 = tpu.memref_squeeze %dma_wait3A_30 : memref<1x128x192xf32, #tpu.memory_space<vmem>> -> memref<128x192xf32, #tpu.memory_space<vmem>>
    tpu.wait_dma2 semaphore(%dma_wait3A_23 : memref<!tpu.dma_semaphore, #tpu.memory_space<semaphore_mem>>) src(%dma_wait3A_31 : memref<128x192xf32, #tpu.memory_space<vmem>>) dst(%dma_wait3A_27 : memref<128x192xf32, #tpu.memory_space<hbm>>)
    %dma_wait3A_32 = arith.constant 1 : i32
    %dma_wait3A_33 = arith.constant 0 : i32
    %dma_wait3A_34 = arith.constant 1 : i32
    %dma_wait3A_35 = arith.constant 0 : i32
    %dma_wait3A_36 = arith.constant 0 : i32
    %dma_wait3A_37 = tpu.memref_slice %arg6[%dma_wait3A_32, %dma_wait3A_35, %dma_wait3A_36] : memref<4x128x192xf32, #tpu.memory_space<vmem>> -> memref<1x128x192xf32, #tpu.memory_space<vmem>>
    %dma_wait3A_38 = tpu.memref_squeeze %dma_wait3A_37 : memref<1x128x192xf32, #tpu.memory_space<vmem>> -> memref<128x192xf32, #tpu.memory_space<vmem>>
    %dma_wait3A_39 = arith.constant 0 : i32
    %dma_wait3A_40 = arith.constant 0 : i32
    %dma_wait3A_41 = tpu.memref_slice %arg4[%dma_wait3A_33, %mul3A_4, %dma_wait3A_39, %dma_wait3A_40] : memref<1x512x512x192xf32, #tpu.memory_space<hbm>> -> memref<1x1x128x192xf32, #tpu.memory_space<hbm>>
    %dma_wait3A_42 = tpu.memref_squeeze %dma_wait3A_41 : memref<1x1x128x192xf32, #tpu.memory_space<hbm>> -> memref<128x192xf32, #tpu.memory_space<hbm>>
    %dma_wait3A_43 = tpu.memref_slice %arg9[%dma_wait3A_34] : memref<4x!tpu.dma_semaphore, #tpu.memory_space<semaphore_mem>> -> memref<1x!tpu.dma_semaphore, #tpu.memory_space<semaphore_mem>>
    %dma_wait3A_44 = tpu.memref_squeeze %dma_wait3A_43 : memref<1x!tpu.dma_semaphore, #tpu.memory_space<semaphore_mem>> -> memref<!tpu.dma_semaphore, #tpu.memory_space<semaphore_mem>>
    %dma_wait3A_45 = arith.constant 0 : i32
    %dma_wait3A_46 = arith.constant 0 : i32
    %dma_wait3A_47 = tpu.memref_slice %arg4[%dma_wait3A_33, %mul3A_4, %dma_wait3A_45, %dma_wait3A_46] : memref<1x512x512x192xf32, #tpu.memory_space<hbm>> -> memref<1x1x128x192xf32, #tpu.memory_space<hbm>>
    %dma_wait3A_48 = tpu.memref_squeeze %dma_wait3A_47 : memref<1x1x128x192xf32, #tpu.memory_space<hbm>> -> memref<128x192xf32, #tpu.memory_space<hbm>>
    %dma_wait3A_49 = arith.constant 0 : i32
    %dma_wait3A_50 = arith.constant 0 : i32
    %dma_wait3A_51 = tpu.memref_slice %arg6[%dma_wait3A_32, %dma_wait3A_49, %dma_wait3A_50] : memref<4x128x192xf32, #tpu.memory_space<vmem>> -> memref<1x128x192xf32, #tpu.memory_space<vmem>>
    %dma_wait3A_52 = tpu.memref_squeeze %dma_wait3A_51 : memref<1x128x192xf32, #tpu.memory_space<vmem>> -> memref<128x192xf32, #tpu.memory_space<vmem>>
    tpu.wait_dma2 semaphore(%dma_wait3A_44 : memref<!tpu.dma_semaphore, #tpu.memory_space<semaphore_mem>>) src(%dma_wait3A_52 : memref<128x192xf32, #tpu.memory_space<vmem>>) dst(%dma_wait3A_48 : memref<128x192xf32, #tpu.memory_space<hbm>>)
    %dma_wait3A_53 = arith.constant 2 : i32
    %dma_wait3A_54 = arith.constant 0 : i32
    %dma_wait3A_55 = arith.constant 2 : i32
    %dma_wait3A_56 = arith.constant 0 : i32
    %dma_wait3A_57 = arith.constant 0 : i32
    %dma_wait3A_58 = tpu.memref_slice %arg6[%dma_wait3A_53, %dma_wait3A_56, %dma_wait3A_57] : memref<4x128x192xf32, #tpu.memory_space<vmem>> -> memref<1x128x192xf32, #tpu.memory_space<vmem>>
    %dma_wait3A_59 = tpu.memref_squeeze %dma_wait3A_58 : memref<1x128x192xf32, #tpu.memory_space<vmem>> -> memref<128x192xf32, #tpu.memory_space<vmem>>
    %dma_wait3A_60 = arith.constant 0 : i32
    %dma_wait3A_61 = arith.constant 0 : i32
    %dma_wait3A_62 = tpu.memref_slice %arg4[%dma_wait3A_54, %mul3A_4, %dma_wait3A_60, %dma_wait3A_61] : memref<1x512x512x192xf32, #tpu.memory_space<hbm>> -> memref<1x1x128x192xf32, #tpu.memory_space<hbm>>
    %dma_wait3A_63 = tpu.memref_squeeze %dma_wait3A_62 : memref<1x1x128x192xf32, #tpu.memory_space<hbm>> -> memref<128x192xf32, #tpu.memory_space<hbm>>
    %dma_wait3A_64 = tpu.memref_slice %arg9[%dma_wait3A_55] : memref<4x!tpu.dma_semaphore, #tpu.memory_space<semaphore_mem>> -> memref<1x!tpu.dma_semaphore, #tpu.memory_space<semaphore_mem>>
    %dma_wait3A_65 = tpu.memref_squeeze %dma_wait3A_64 : memref<1x!tpu.dma_semaphore, #tpu.memory_space<semaphore_mem>> -> memref<!tpu.dma_semaphore, #tpu.memory_space<semaphore_mem>>
    %dma_wait3A_66 = arith.constant 0 : i32
    %dma_wait3A_67 = arith.constant 0 : i32
    %dma_wait3A_68 = tpu.memref_slice %arg4[%dma_wait3A_54, %mul3A_4, %dma_wait3A_66, %dma_wait3A_67] : memref<1x512x512x192xf32, #tpu.memory_space<hbm>> -> memref<1x1x128x192xf32, #tpu.memory_space<hbm>>
    %dma_wait3A_69 = tpu.memref_squeeze %dma_wait3A_68 : memref<1x1x128x192xf32, #tpu.memory_space<hbm>> -> memref<128x192xf32, #tpu.memory_space<hbm>>
    %dma_wait3A_70 = arith.constant 0 : i32
    %dma_wait3A_71 = arith.constant 0 : i32
    %dma_wait3A_72 = tpu.memref_slice %arg6[%dma_wait3A_53, %dma_wait3A_70, %dma_wait3A_71] : memref<4x128x192xf32, #tpu.memory_space<vmem>> -> memref<1x128x192xf32, #tpu.memory_space<vmem>>
    %dma_wait3A_73 = tpu.memref_squeeze %dma_wait3A_72 : memref<1x128x192xf32, #tpu.memory_space<vmem>> -> memref<128x192xf32, #tpu.memory_space<vmem>>
    tpu.wait_dma2 semaphore(%dma_wait3A_65 : memref<!tpu.dma_semaphore, #tpu.memory_space<semaphore_mem>>) src(%dma_wait3A_73 : memref<128x192xf32, #tpu.memory_space<vmem>>) dst(%dma_wait3A_69 : memref<128x192xf32, #tpu.memory_space<hbm>>)
    %dma_wait3A_74 = arith.constant 3 : i32
    %dma_wait3A_75 = arith.constant 0 : i32
    %dma_wait3A_76 = arith.constant 3 : i32
    %dma_wait3A_77 = arith.constant 0 : i32
    %dma_wait3A_78 = arith.constant 0 : i32
    %dma_wait3A_79 = tpu.memref_slice %arg6[%dma_wait3A_74, %dma_wait3A_77, %dma_wait3A_78] : memref<4x128x192xf32, #tpu.memory_space<vmem>> -> memref<1x128x192xf32, #tpu.memory_space<vmem>>
    %dma_wait3A_80 = tpu.memref_squeeze %dma_wait3A_79 : memref<1x128x192xf32, #tpu.memory_space<vmem>> -> memref<128x192xf32, #tpu.memory_space<vmem>>
    %dma_wait3A_81 = arith.constant 0 : i32
    %dma_wait3A_82 = arith.constant 0 : i32
    %dma_wait3A_83 = tpu.memref_slice %arg4[%dma_wait3A_75, %mul3A_4, %dma_wait3A_81, %dma_wait3A_82] : memref<1x512x512x192xf32, #tpu.memory_space<hbm>> -> memref<1x1x128x192xf32, #tpu.memory_space<hbm>>
    %dma_wait3A_84 = tpu.memref_squeeze %dma_wait3A_83 : memref<1x1x128x192xf32, #tpu.memory_space<hbm>> -> memref<128x192xf32, #tpu.memory_space<hbm>>
    %dma_wait3A_85 = tpu.memref_slice %arg9[%dma_wait3A_76] : memref<4x!tpu.dma_semaphore, #tpu.memory_space<semaphore_mem>> -> memref<1x!tpu.dma_semaphore, #tpu.memory_space<semaphore_mem>>
    %dma_wait3A_86 = tpu.memref_squeeze %dma_wait3A_85 : memref<1x!tpu.dma_semaphore, #tpu.memory_space<semaphore_mem>> -> memref<!tpu.dma_semaphore, #tpu.memory_space<semaphore_mem>>
    %dma_wait3A_87 = arith.constant 0 : i32
    %dma_wait3A_88 = arith.constant 0 : i32
    %dma_wait3A_89 = tpu.memref_slice %arg4[%dma_wait3A_75, %mul3A_4, %dma_wait3A_87, %dma_wait3A_88] : memref<1x512x512x192xf32, #tpu.memory_space<hbm>> -> memref<1x1x128x192xf32, #tpu.memory_space<hbm>>
    %dma_wait3A_90 = tpu.memref_squeeze %dma_wait3A_89 : memref<1x1x128x192xf32, #tpu.memory_space<hbm>> -> memref<128x192xf32, #tpu.memory_space<hbm>>
    %dma_wait3A_91 = arith.constant 0 : i32
    %dma_wait3A_92 = arith.constant 0 : i32
    %dma_wait3A_93 = tpu.memref_slice %arg6[%dma_wait3A_74, %dma_wait3A_91, %dma_wait3A_92] : memref<4x128x192xf32, #tpu.memory_space<vmem>> -> memref<1x128x192xf32, #tpu.memory_space<vmem>>
    %dma_wait3A_94 = tpu.memref_squeeze %dma_wait3A_93 : memref<1x128x192xf32, #tpu.memory_space<vmem>> -> memref<128x192xf32, #tpu.memory_space<vmem>>
    tpu.wait_dma2 semaphore(%dma_wait3A_86 : memref<!tpu.dma_semaphore, #tpu.memory_space<semaphore_mem>>) src(%dma_wait3A_94 : memref<128x192xf32, #tpu.memory_space<vmem>>) dst(%dma_wait3A_90 : memref<128x192xf32, #tpu.memory_space<hbm>>)
    return
  }
}

module attributes {stable_mosaic.version = 14 : i64} {
  func.func @_tc_body(%arg0: memref<1x512xi32, #tpu.memory_space<vmem>>, %arg1: memref<512x1xi32, #tpu.memory_space<vmem>>, %arg2: memref<1x512xi32, #tpu.memory_space<vmem>>, %arg3: memref<512x1xi32, #tpu.memory_space<vmem>>, %arg4: memref<1x512x512xi32, #tpu.memory_space<vmem>>, %arg5: memref<1x512x512xi32, #tpu.memory_space<vmem>>, %arg6: memref<66x192xf32, #tpu.memory_space<vmem>>, %arg7: memref<10x192xf32, #tpu.memory_space<vmem>>, %arg8: memref<2x192xf32, #tpu.memory_space<vmem>>, %arg9: memref<512x512xi32, #tpu.memory_space<vmem>>, %arg10: memref<1320x192xf32, #tpu.memory_space<vmem>>) attributes {dimension_semantics = [], scalar_prefetch = 0 : i64, scratch_operands = 0 : i64, tpu.core_type = #tpu.core_type<tc>} {
    %get3A = arith.constant 0 : index
    %get3A_0 = arith.constant 0 : index
    %get3A_1 = vector.load %arg0[%get3A, %get3A_0] : memref<1x512xi32, #tpu.memory_space<vmem>>, vector<1x512xi32>
    %ge3A = arith.constant 32 : i32
    %ge3A_2 = vector.broadcast %ge3A : i32 to vector<1x512xi32>
    %ge3A_3 = arith.cmpi sge, %get3A_1, %ge3A_2 : vector<1x512xi32>
    %get3A_4 = arith.constant 0 : index
    %get3A_5 = arith.constant 0 : index
    %get3A_6 = vector.load %arg1[%get3A_4, %get3A_5] : memref<512x1xi32, #tpu.memory_space<vmem>>, vector<512x1xi32>
    %ge3A_7 = arith.constant 32 : i32
    %ge3A_8 = vector.broadcast %ge3A_7 : i32 to vector<512x1xi32>
    %ge3A_9 = arith.cmpi sge, %get3A_6, %ge3A_8 : vector<512x1xi32>
    %and3A = vector.broadcast %ge3A_9 : vector<512x1xi1> to vector<512x512xi1>
    %and3A_10 = vector.broadcast %ge3A_3 : vector<1x512xi1> to vector<512x512xi1>
    %and3A_11 = arith.andi %and3A, %and3A_10 : vector<512x512xi1>
    %get3A_12 = arith.constant 0 : index
    %get3A_13 = arith.constant 0 : index
    %get3A_14 = vector.load %arg2[%get3A_12, %get3A_13] : memref<1x512xi32, #tpu.memory_space<vmem>>, vector<1x512xi32>
    %get3A_15 = arith.constant 0 : index
    %get3A_16 = arith.constant 0 : index
    %get3A_17 = vector.load %arg3[%get3A_15, %get3A_16] : memref<512x1xi32, #tpu.memory_space<vmem>>, vector<512x1xi32>
    %sub3A = vector.broadcast %get3A_14 : vector<1x512xi32> to vector<512x512xi32>
    %sub3A_18 = vector.broadcast %get3A_17 : vector<512x1xi32> to vector<512x512xi32>
    %sub3A_19 = arith.subi %sub3A, %sub3A_18 : vector<512x512xi32>
    %jit3A = arith.constant -32 : i32
    %jit3A_20 = arith.constant 32 : i32
    %max3A = vector.broadcast %jit3A : i32 to vector<512x512xi32>
    %max3A_21 = arith.maxsi %max3A, %sub3A_19 : vector<512x512xi32>
    %min3A = vector.broadcast %jit3A_20 : i32 to vector<512x512xi32>
    %min3A_22 = arith.minsi %min3A, %max3A_21 : vector<512x512xi32>
    %add3A = arith.constant 32 : i32
    %add3A_23 = vector.broadcast %add3A : i32 to vector<512x512xi32>
    %add3A_24 = arith.addi %min3A_22, %add3A_23 : vector<512x512xi32>
    %jit3A_25 = arith.constant 65 : i32
    %broadcast_in_dim3A = vector.broadcast %jit3A_25 : i32 to vector<512x512xi32>
    %select_n3A = arith.select %and3A_11, %broadcast_in_dim3A, %add3A_24 : vector<512x512xi1>, vector<512x512xi32>
    %get3A_26 = arith.constant 0 : index
    %get3A_27 = arith.constant 0 : index
    %get3A_28 = arith.constant 0 : index
    %get3A_29 = vector.load %arg4[%get3A_26, %get3A_27, %get3A_28] : memref<1x512x512xi32, #tpu.memory_space<vmem>>, vector<1x512x512xi32>
    %get3A_30 = vector.shape_cast %get3A_29 : vector<1x512x512xi32> to vector<512x512xi32>
    %gt3A = arith.constant 0 : i32
    %gt3A_31 = vector.broadcast %gt3A : i32 to vector<512x512xi32>
    %gt3A_32 = arith.cmpi sgt, %get3A_30, %gt3A_31 : vector<512x512xi32>
    %lt3A = arith.constant 5 : i32
    %lt3A_33 = vector.broadcast %lt3A : i32 to vector<512x512xi32>
    %lt3A_34 = arith.cmpi slt, %get3A_30, %lt3A_33 : vector<512x512xi32>
    %and3A_35 = arith.andi %gt3A_32, %lt3A_34 : vector<512x512xi1>
    %convert_element_type3A = arith.extui %and3A_35 : vector<512x512xi1> to vector<512x512xi32>
    %convert_element_type3A_36 = arith.sitofp %convert_element_type3A : vector<512x512xi32> to vector<512x512xf32>
    %iota3A = tpu.iota {dimensions = array<i32: 0>} : vector<512x512xi32>
    %iota3A_37 = tpu.iota {dimensions = array<i32: 1>} : vector<512x512xi32>
    %eq3A = arith.cmpi eq, %iota3A, %iota3A_37 : vector<512x512xi32>
    %gt3A_38 = arith.constant 0.000000e+00 : f32
    %gt3A_39 = vector.broadcast %gt3A_38 : f32 to vector<512x512xf32>
    %gt3A_40 = arith.cmpf ogt, %convert_element_type3A_36, %gt3A_39 : vector<512x512xf32>
    %jit3A_41 = arith.constant 1.000000e+00 : f32
    %jit3A_42 = arith.constant 9.000000e+00 : f32
    %broadcast_in_dim3A_43 = vector.broadcast %jit3A_41 : f32 to vector<512x512xf32>
    %broadcast_in_dim3A_44 = vector.broadcast %jit3A_42 : f32 to vector<512x512xf32>
    %select_n3A_45 = arith.select %gt3A_40, %broadcast_in_dim3A_43, %broadcast_in_dim3A_44 : vector<512x512xi1>, vector<512x512xf32>
    %jit3A_46 = arith.constant 0.000000e+00 : f32
    %broadcast_in_dim3A_47 = vector.broadcast %jit3A_46 : f32 to vector<512x512xf32>
    %select_n3A_48 = arith.select %eq3A, %broadcast_in_dim3A_47, %select_n3A_45 : vector<512x512xi1>, vector<512x512xf32>
    %convert_element_type3A_49 = arith.extui %eq3A : vector<512x512xi1> to vector<512x512xi32>
    %convert_element_type3A_50 = arith.sitofp %convert_element_type3A_49 : vector<512x512xi32> to vector<512x512xf32>
    %add3A_51 = arith.addf %convert_element_type3A_36, %convert_element_type3A_50 : vector<512x512xf32>
    %min3A_52 = arith.constant 1.000000e+00 : f32
    %min3A_53 = vector.broadcast %min3A_52 : f32 to vector<512x512xf32>
    %min3A_54 = arith.minimumf %add3A_51, %min3A_53 : vector<512x512xf32>
    %dot_general3A = arith.constant dense<0.000000e+00> : vector<512x512xf32>
    %dot_general3A_55 = tpu.matmul %min3A_54, %min3A_54, %dot_general3A {dimension_numbers = #tpu.dot_dimension_numbers<[1], [0], [0], [1], [0, 0, 1, 1], [], []>, transpose_lhs_hint = false} : vector<512x512xf32>, vector<512x512xf32>, vector<512x512xf32> -> vector<512x512xf32>
    %gt3A_56 = arith.constant 0.000000e+00 : f32
    %gt3A_57 = vector.broadcast %gt3A_56 : f32 to vector<512x512xf32>
    %gt3A_58 = arith.cmpf ogt, %dot_general3A_55, %gt3A_57 : vector<512x512xf32>
    %convert_element_type3A_59 = arith.extui %gt3A_58 : vector<512x512xi1> to vector<512x512xi32>
    %convert_element_type3A_60 = arith.sitofp %convert_element_type3A_59 : vector<512x512xi32> to vector<512x512xf32>
    %gt3A_61 = arith.constant 0.000000e+00 : f32
    %gt3A_62 = vector.broadcast %gt3A_61 : f32 to vector<512x512xf32>
    %gt3A_63 = arith.cmpf ogt, %convert_element_type3A_60, %gt3A_62 : vector<512x512xf32>
    %ge3A_64 = arith.constant 9.000000e+00 : f32
    %ge3A_65 = vector.broadcast %ge3A_64 : f32 to vector<512x512xf32>
    %ge3A_66 = arith.cmpf oge, %select_n3A_48, %ge3A_65 : vector<512x512xf32>
    %and3A_67 = arith.andi %gt3A_63, %ge3A_66 : vector<512x512xi1>
    %jit3A_68 = arith.constant 2.000000e+00 : f32
    %broadcast_in_dim3A_69 = vector.broadcast %jit3A_68 : f32 to vector<512x512xf32>
    %select_n3A_70 = arith.select %and3A_67, %broadcast_in_dim3A_69, %select_n3A_48 : vector<512x512xi1>, vector<512x512xf32>
    %dot_general3A_71 = arith.constant dense<0.000000e+00> : vector<512x512xf32>
    %dot_general3A_72 = tpu.matmul %convert_element_type3A_60, %min3A_54, %dot_general3A_71 {dimension_numbers = #tpu.dot_dimension_numbers<[1], [0], [0], [1], [0, 0, 1, 1], [], []>, transpose_lhs_hint = false} : vector<512x512xf32>, vector<512x512xf32>, vector<512x512xf32> -> vector<512x512xf32>
    %gt3A_73 = arith.constant 0.000000e+00 : f32
    %gt3A_74 = vector.broadcast %gt3A_73 : f32 to vector<512x512xf32>
    %gt3A_75 = arith.cmpf ogt, %dot_general3A_72, %gt3A_74 : vector<512x512xf32>
    %convert_element_type3A_76 = arith.extui %gt3A_75 : vector<512x512xi1> to vector<512x512xi32>
    %convert_element_type3A_77 = arith.sitofp %convert_element_type3A_76 : vector<512x512xi32> to vector<512x512xf32>
    %gt3A_78 = arith.constant 0.000000e+00 : f32
    %gt3A_79 = vector.broadcast %gt3A_78 : f32 to vector<512x512xf32>
    %gt3A_80 = arith.cmpf ogt, %convert_element_type3A_77, %gt3A_79 : vector<512x512xf32>
    %ge3A_81 = arith.constant 9.000000e+00 : f32
    %ge3A_82 = vector.broadcast %ge3A_81 : f32 to vector<512x512xf32>
    %ge3A_83 = arith.cmpf oge, %select_n3A_70, %ge3A_82 : vector<512x512xf32>
    %and3A_84 = arith.andi %gt3A_80, %ge3A_83 : vector<512x512xi1>
    %jit3A_85 = arith.constant 3.000000e+00 : f32
    %broadcast_in_dim3A_86 = vector.broadcast %jit3A_85 : f32 to vector<512x512xf32>
    %select_n3A_87 = arith.select %and3A_84, %broadcast_in_dim3A_86, %select_n3A_70 : vector<512x512xi1>, vector<512x512xf32>
    %dot_general3A_88 = arith.constant dense<0.000000e+00> : vector<512x512xf32>
    %dot_general3A_89 = tpu.matmul %convert_element_type3A_77, %min3A_54, %dot_general3A_88 {dimension_numbers = #tpu.dot_dimension_numbers<[1], [0], [0], [1], [0, 0, 1, 1], [], []>, transpose_lhs_hint = false} : vector<512x512xf32>, vector<512x512xf32>, vector<512x512xf32> -> vector<512x512xf32>
    %gt3A_90 = arith.constant 0.000000e+00 : f32
    %gt3A_91 = vector.broadcast %gt3A_90 : f32 to vector<512x512xf32>
    %gt3A_92 = arith.cmpf ogt, %dot_general3A_89, %gt3A_91 : vector<512x512xf32>
    %convert_element_type3A_93 = arith.extui %gt3A_92 : vector<512x512xi1> to vector<512x512xi32>
    %convert_element_type3A_94 = arith.sitofp %convert_element_type3A_93 : vector<512x512xi32> to vector<512x512xf32>
    %gt3A_95 = arith.constant 0.000000e+00 : f32
    %gt3A_96 = vector.broadcast %gt3A_95 : f32 to vector<512x512xf32>
    %gt3A_97 = arith.cmpf ogt, %convert_element_type3A_94, %gt3A_96 : vector<512x512xf32>
    %ge3A_98 = arith.constant 9.000000e+00 : f32
    %ge3A_99 = vector.broadcast %ge3A_98 : f32 to vector<512x512xf32>
    %ge3A_100 = arith.cmpf oge, %select_n3A_87, %ge3A_99 : vector<512x512xf32>
    %and3A_101 = arith.andi %gt3A_97, %ge3A_100 : vector<512x512xi1>
    %jit3A_102 = arith.constant 4.000000e+00 : f32
    %broadcast_in_dim3A_103 = vector.broadcast %jit3A_102 : f32 to vector<512x512xf32>
    %select_n3A_104 = arith.select %and3A_101, %broadcast_in_dim3A_103, %select_n3A_87 : vector<512x512xi1>, vector<512x512xf32>
    %dot_general3A_105 = arith.constant dense<0.000000e+00> : vector<512x512xf32>
    %dot_general3A_106 = tpu.matmul %convert_element_type3A_94, %min3A_54, %dot_general3A_105 {dimension_numbers = #tpu.dot_dimension_numbers<[1], [0], [0], [1], [0, 0, 1, 1], [], []>, transpose_lhs_hint = false} : vector<512x512xf32>, vector<512x512xf32>, vector<512x512xf32> -> vector<512x512xf32>
    %gt3A_107 = arith.constant 0.000000e+00 : f32
    %gt3A_108 = vector.broadcast %gt3A_107 : f32 to vector<512x512xf32>
    %gt3A_109 = arith.cmpf ogt, %dot_general3A_106, %gt3A_108 : vector<512x512xf32>
    %convert_element_type3A_110 = arith.extui %gt3A_109 : vector<512x512xi1> to vector<512x512xi32>
    %convert_element_type3A_111 = arith.sitofp %convert_element_type3A_110 : vector<512x512xi32> to vector<512x512xf32>
    %gt3A_112 = arith.constant 0.000000e+00 : f32
    %gt3A_113 = vector.broadcast %gt3A_112 : f32 to vector<512x512xf32>
    %gt3A_114 = arith.cmpf ogt, %convert_element_type3A_111, %gt3A_113 : vector<512x512xf32>
    %ge3A_115 = arith.constant 9.000000e+00 : f32
    %ge3A_116 = vector.broadcast %ge3A_115 : f32 to vector<512x512xf32>
    %ge3A_117 = arith.cmpf oge, %select_n3A_104, %ge3A_116 : vector<512x512xf32>
    %and3A_118 = arith.andi %gt3A_114, %ge3A_117 : vector<512x512xi1>
    %jit3A_119 = arith.constant 5.000000e+00 : f32
    %broadcast_in_dim3A_120 = vector.broadcast %jit3A_119 : f32 to vector<512x512xf32>
    %select_n3A_121 = arith.select %and3A_118, %broadcast_in_dim3A_120, %select_n3A_104 : vector<512x512xi1>, vector<512x512xf32>
    %dot_general3A_122 = arith.constant dense<0.000000e+00> : vector<512x512xf32>
    %dot_general3A_123 = tpu.matmul %convert_element_type3A_111, %min3A_54, %dot_general3A_122 {dimension_numbers = #tpu.dot_dimension_numbers<[1], [0], [0], [1], [0, 0, 1, 1], [], []>, transpose_lhs_hint = false} : vector<512x512xf32>, vector<512x512xf32>, vector<512x512xf32> -> vector<512x512xf32>
    %gt3A_124 = arith.constant 0.000000e+00 : f32
    %gt3A_125 = vector.broadcast %gt3A_124 : f32 to vector<512x512xf32>
    %gt3A_126 = arith.cmpf ogt, %dot_general3A_123, %gt3A_125 : vector<512x512xf32>
    %convert_element_type3A_127 = arith.extui %gt3A_126 : vector<512x512xi1> to vector<512x512xi32>
    %convert_element_type3A_128 = arith.sitofp %convert_element_type3A_127 : vector<512x512xi32> to vector<512x512xf32>
    %gt3A_129 = arith.constant 0.000000e+00 : f32
    %gt3A_130 = vector.broadcast %gt3A_129 : f32 to vector<512x512xf32>
    %gt3A_131 = arith.cmpf ogt, %convert_element_type3A_128, %gt3A_130 : vector<512x512xf32>
    %ge3A_132 = arith.constant 9.000000e+00 : f32
    %ge3A_133 = vector.broadcast %ge3A_132 : f32 to vector<512x512xf32>
    %ge3A_134 = arith.cmpf oge, %select_n3A_121, %ge3A_133 : vector<512x512xf32>
    %and3A_135 = arith.andi %gt3A_131, %ge3A_134 : vector<512x512xi1>
    %jit3A_136 = arith.constant 6.000000e+00 : f32
    %broadcast_in_dim3A_137 = vector.broadcast %jit3A_136 : f32 to vector<512x512xf32>
    %select_n3A_138 = arith.select %and3A_135, %broadcast_in_dim3A_137, %select_n3A_121 : vector<512x512xi1>, vector<512x512xf32>
    %dot_general3A_139 = arith.constant dense<0.000000e+00> : vector<512x512xf32>
    %dot_general3A_140 = tpu.matmul %convert_element_type3A_128, %min3A_54, %dot_general3A_139 {dimension_numbers = #tpu.dot_dimension_numbers<[1], [0], [0], [1], [0, 0, 1, 1], [], []>, transpose_lhs_hint = false} : vector<512x512xf32>, vector<512x512xf32>, vector<512x512xf32> -> vector<512x512xf32>
    %gt3A_141 = arith.constant 0.000000e+00 : f32
    %gt3A_142 = vector.broadcast %gt3A_141 : f32 to vector<512x512xf32>
    %gt3A_143 = arith.cmpf ogt, %dot_general3A_140, %gt3A_142 : vector<512x512xf32>
    %convert_element_type3A_144 = arith.extui %gt3A_143 : vector<512x512xi1> to vector<512x512xi32>
    %convert_element_type3A_145 = arith.sitofp %convert_element_type3A_144 : vector<512x512xi32> to vector<512x512xf32>
    %gt3A_146 = arith.constant 0.000000e+00 : f32
    %gt3A_147 = vector.broadcast %gt3A_146 : f32 to vector<512x512xf32>
    %gt3A_148 = arith.cmpf ogt, %convert_element_type3A_145, %gt3A_147 : vector<512x512xf32>
    %ge3A_149 = arith.constant 9.000000e+00 : f32
    %ge3A_150 = vector.broadcast %ge3A_149 : f32 to vector<512x512xf32>
    %ge3A_151 = arith.cmpf oge, %select_n3A_138, %ge3A_150 : vector<512x512xf32>
    %and3A_152 = arith.andi %gt3A_148, %ge3A_151 : vector<512x512xi1>
    %jit3A_153 = arith.constant 7.000000e+00 : f32
    %broadcast_in_dim3A_154 = vector.broadcast %jit3A_153 : f32 to vector<512x512xf32>
    %select_n3A_155 = arith.select %and3A_152, %broadcast_in_dim3A_154, %select_n3A_138 : vector<512x512xi1>, vector<512x512xf32>
    %dot_general3A_156 = arith.constant dense<0.000000e+00> : vector<512x512xf32>
    %dot_general3A_157 = tpu.matmul %convert_element_type3A_145, %min3A_54, %dot_general3A_156 {dimension_numbers = #tpu.dot_dimension_numbers<[1], [0], [0], [1], [0, 0, 1, 1], [], []>, transpose_lhs_hint = false} : vector<512x512xf32>, vector<512x512xf32>, vector<512x512xf32> -> vector<512x512xf32>
    %gt3A_158 = arith.constant 0.000000e+00 : f32
    %gt3A_159 = vector.broadcast %gt3A_158 : f32 to vector<512x512xf32>
    %gt3A_160 = arith.cmpf ogt, %dot_general3A_157, %gt3A_159 : vector<512x512xf32>
    %convert_element_type3A_161 = arith.extui %gt3A_160 : vector<512x512xi1> to vector<512x512xi32>
    %convert_element_type3A_162 = arith.sitofp %convert_element_type3A_161 : vector<512x512xi32> to vector<512x512xf32>
    %gt3A_163 = arith.constant 0.000000e+00 : f32
    %gt3A_164 = vector.broadcast %gt3A_163 : f32 to vector<512x512xf32>
    %gt3A_165 = arith.cmpf ogt, %convert_element_type3A_162, %gt3A_164 : vector<512x512xf32>
    %ge3A_166 = arith.constant 9.000000e+00 : f32
    %ge3A_167 = vector.broadcast %ge3A_166 : f32 to vector<512x512xf32>
    %ge3A_168 = arith.cmpf oge, %select_n3A_155, %ge3A_167 : vector<512x512xf32>
    %and3A_169 = arith.andi %gt3A_165, %ge3A_168 : vector<512x512xi1>
    %jit3A_170 = arith.constant 8.000000e+00 : f32
    %broadcast_in_dim3A_171 = vector.broadcast %jit3A_170 : f32 to vector<512x512xf32>
    %select_n3A_172 = arith.select %and3A_169, %broadcast_in_dim3A_171, %select_n3A_155 : vector<512x512xi1>, vector<512x512xf32>
    %min3A_173 = arith.constant 8.000000e+00 : f32
    %min3A_174 = vector.broadcast %min3A_173 : f32 to vector<512x512xf32>
    %min3A_175 = arith.minimumf %select_n3A_172, %min3A_174 : vector<512x512xf32>
    %convert_element_type3A_176 = arith.fptosi %min3A_175 : vector<512x512xf32> to vector<512x512xi32>
    %jit3A_177 = arith.constant 9 : i32
    %broadcast_in_dim3A_178 = vector.broadcast %jit3A_177 : i32 to vector<512x512xi32>
    %select_n3A_179 = arith.select %and3A_11, %convert_element_type3A_176, %broadcast_in_dim3A_178 : vector<512x512xi1>, vector<512x512xi32>
    %mul3A = arith.constant 20 : i32
    %mul3A_180 = vector.broadcast %mul3A : i32 to vector<512x512xi32>
    %mul3A_181 = arith.muli %select_n3A, %mul3A_180 : vector<512x512xi32>
    %mul3A_182 = arith.constant 2 : i32
    %mul3A_183 = vector.broadcast %mul3A_182 : i32 to vector<512x512xi32>
    %mul3A_184 = arith.muli %select_n3A_179, %mul3A_183 : vector<512x512xi32>
    %add3A_185 = arith.addi %mul3A_181, %mul3A_184 : vector<512x512xi32>
    %get3A_186 = arith.constant 0 : index
    %get3A_187 = arith.constant 0 : index
    %get3A_188 = arith.constant 0 : index
    %get3A_189 = vector.load %arg5[%get3A_186, %get3A_187, %get3A_188] : memref<1x512x512xi32, #tpu.memory_space<vmem>>, vector<1x512x512xi32>
    %get3A_190 = vector.shape_cast %get3A_189 : vector<1x512x512xi32> to vector<512x512xi32>
    %add3A_191 = arith.addi %add3A_185, %get3A_190 : vector<512x512xi32>
    %swap3A = arith.constant 0 : index
    %swap3A_192 = arith.constant 0 : index
    %swap3A_193 = vector.load %arg9[%swap3A, %swap3A_192] : memref<512x512xi32, #tpu.memory_space<vmem>>, vector<512x512xi32>
    tpu.vector_store %arg9[%swap3A, %swap3A_192], %add3A_191 {strides = array<i32>} : memref<512x512xi32, #tpu.memory_space<vmem>>, vector<512x512xi32>,
    %iota3A_194 = tpu.iota {dimensions = array<i32: 0>} : vector<1320x1xi32>
    %jit3A_195 = arith.constant 20 : i32
    %div3A = vector.broadcast %jit3A_195 : i32 to vector<1320x1xi32>
    %div3A_196 = arith.divsi %iota3A_194, %div3A : vector<1320x1xi32>
    %sign3A = arith.constant 0 : i32
    %sign3A_197 = vector.broadcast %sign3A : i32 to vector<1320x1xi32>
    %sign3A_198 = arith.cmpi sgt, %iota3A_194, %sign3A_197 : vector<1320x1xi32>
    %sign3A_199 = arith.extui %sign3A_198 : vector<1320x1xi1> to vector<1320x1xi32>
    %sign3A_200 = arith.constant 0 : i32
    %sign3A_201 = vector.broadcast %sign3A_200 : i32 to vector<1320x1xi32>
    %sign3A_202 = arith.cmpi slt, %iota3A_194, %sign3A_201 : vector<1320x1xi32>
    %sign3A_203 = arith.extui %sign3A_202 : vector<1320x1xi1> to vector<1320x1xi32>
    %sign3A_204 = arith.subi %sign3A_199, %sign3A_203 : vector<1320x1xi32>
    %sign3A_205 = arith.constant 0 : i32
    %sign3A_206 = arith.cmpi sgt, %jit3A_195, %sign3A_205 : i32
    %sign3A_207 = arith.extui %sign3A_206 : i1 to i32
    %sign3A_208 = arith.constant 0 : i32
    %sign3A_209 = arith.cmpi slt, %jit3A_195, %sign3A_208 : i32
    %sign3A_210 = arith.extui %sign3A_209 : i1 to i32
    %sign3A_211 = arith.subi %sign3A_207, %sign3A_210 : i32
    %ne3A = vector.broadcast %sign3A_211 : i32 to vector<1320x1xi32>
    %ne3A_212 = arith.cmpi ne, %sign3A_204, %ne3A : vector<1320x1xi32>
    %rem3A = vector.broadcast %jit3A_195 : i32 to vector<1320x1xi32>
    %rem3A_213 = arith.remsi %iota3A_194, %rem3A : vector<1320x1xi32>
    %ne3A_214 = arith.constant 0 : i32
    %ne3A_215 = vector.broadcast %ne3A_214 : i32 to vector<1320x1xi32>
    %ne3A_216 = arith.cmpi ne, %rem3A_213, %ne3A_215 : vector<1320x1xi32>
    %and3A_217 = arith.andi %ne3A_212, %ne3A_216 : vector<1320x1xi1>
    %sub3A_218 = arith.constant 1 : i32
    %sub3A_219 = vector.broadcast %sub3A_218 : i32 to vector<1320x1xi32>
    %sub3A_220 = arith.subi %div3A_196, %sub3A_219 : vector<1320x1xi32>
    %select_n3A_221 = arith.select %and3A_217, %sub3A_220, %div3A_196 : vector<1320x1xi1>, vector<1320x1xi32>
    %jit3A_222 = arith.constant 20 : i32
    %eq3A_223 = arith.constant 0 : i32
    %eq3A_224 = arith.cmpi eq, %jit3A_222, %eq3A_223 : i32
    %jit3A_225 = arith.constant 1 : i32
    %select_n3A_226 = arith.select %eq3A_224, %jit3A_225, %jit3A_222 : i32
    %rem3A_227 = vector.broadcast %select_n3A_226 : i32 to vector<1320x1xi32>
    %rem3A_228 = arith.remsi %iota3A_194, %rem3A_227 : vector<1320x1xi32>
    %ne3A_229 = arith.constant 0 : i32
    %ne3A_230 = vector.broadcast %ne3A_229 : i32 to vector<1320x1xi32>
    %ne3A_231 = arith.cmpi ne, %rem3A_228, %ne3A_230 : vector<1320x1xi32>
    %lt3A_232 = arith.constant 0 : i32
    %lt3A_233 = vector.broadcast %lt3A_232 : i32 to vector<1320x1xi32>
    %lt3A_234 = arith.cmpi slt, %rem3A_228, %lt3A_233 : vector<1320x1xi32>
    %lt3A_235 = arith.constant 0 : i32
    %lt3A_236 = arith.cmpi slt, %select_n3A_226, %lt3A_235 : i32
    %ne3A_237 = vector.broadcast %lt3A_236 : i1 to vector<1320x1xi1>
    %ne3A_238 = vector.broadcast %ne3A_237 : vector<1320x1xi1> to vector<1320x1xi1>
    %ne3A_239 = arith.xori %lt3A_234, %ne3A_238 : vector<1320x1xi1>
    %and3A_240 = arith.andi %ne3A_239, %ne3A_231 : vector<1320x1xi1>
    %add3A_241 = vector.broadcast %select_n3A_226 : i32 to vector<1320x1xi32>
    %add3A_242 = arith.addi %rem3A_228, %add3A_241 : vector<1320x1xi32>
    %select_n3A_243 = arith.select %and3A_240, %add3A_242, %rem3A_228 : vector<1320x1xi1>, vector<1320x1xi32>
    %jit3A_244 = arith.constant 2 : i32
    %div3A_245 = vector.broadcast %jit3A_244 : i32 to vector<1320x1xi32>
    %div3A_246 = arith.divsi %select_n3A_243, %div3A_245 : vector<1320x1xi32>
    %sign3A_247 = arith.constant 0 : i32
    %sign3A_248 = vector.broadcast %sign3A_247 : i32 to vector<1320x1xi32>
    %sign3A_249 = arith.cmpi sgt, %select_n3A_243, %sign3A_248 : vector<1320x1xi32>
    %sign3A_250 = arith.extui %sign3A_249 : vector<1320x1xi1> to vector<1320x1xi32>
    %sign3A_251 = arith.constant 0 : i32
    %sign3A_252 = vector.broadcast %sign3A_251 : i32 to vector<1320x1xi32>
    %sign3A_253 = arith.cmpi slt, %select_n3A_243, %sign3A_252 : vector<1320x1xi32>
    %sign3A_254 = arith.extui %sign3A_253 : vector<1320x1xi1> to vector<1320x1xi32>
    %sign3A_255 = arith.subi %sign3A_250, %sign3A_254 : vector<1320x1xi32>
    %sign3A_256 = arith.constant 0 : i32
    %sign3A_257 = arith.cmpi sgt, %jit3A_244, %sign3A_256 : i32
    %sign3A_258 = arith.extui %sign3A_257 : i1 to i32
    %sign3A_259 = arith.constant 0 : i32
    %sign3A_260 = arith.cmpi slt, %jit3A_244, %sign3A_259 : i32
    %sign3A_261 = arith.extui %sign3A_260 : i1 to i32
    %sign3A_262 = arith.subi %sign3A_258, %sign3A_261 : i32
    %ne3A_263 = vector.broadcast %sign3A_262 : i32 to vector<1320x1xi32>
    %ne3A_264 = arith.cmpi ne, %sign3A_255, %ne3A_263 : vector<1320x1xi32>
    %rem3A_265 = vector.broadcast %jit3A_244 : i32 to vector<1320x1xi32>
    %rem3A_266 = arith.remsi %select_n3A_243, %rem3A_265 : vector<1320x1xi32>
    %ne3A_267 = arith.constant 0 : i32
    %ne3A_268 = vector.broadcast %ne3A_267 : i32 to vector<1320x1xi32>
    %ne3A_269 = arith.cmpi ne, %rem3A_266, %ne3A_268 : vector<1320x1xi32>
    %and3A_270 = arith.andi %ne3A_264, %ne3A_269 : vector<1320x1xi1>
    %sub3A_271 = arith.constant 1 : i32
    %sub3A_272 = vector.broadcast %sub3A_271 : i32 to vector<1320x1xi32>
    %sub3A_273 = arith.subi %div3A_246, %sub3A_272 : vector<1320x1xi32>
    %select_n3A_274 = arith.select %and3A_270, %sub3A_273, %div3A_246 : vector<1320x1xi1>, vector<1320x1xi32>
    %jit3A_275 = arith.constant 2 : i32
    %eq3A_276 = arith.constant 0 : i32
    %eq3A_277 = arith.cmpi eq, %jit3A_275, %eq3A_276 : i32
    %jit3A_278 = arith.constant 1 : i32
    %select_n3A_279 = arith.select %eq3A_277, %jit3A_278, %jit3A_275 : i32
    %rem3A_280 = vector.broadcast %select_n3A_279 : i32 to vector<1320x1xi32>
    %rem3A_281 = arith.remsi %iota3A_194, %rem3A_280 : vector<1320x1xi32>
    %ne3A_282 = arith.constant 0 : i32
    %ne3A_283 = vector.broadcast %ne3A_282 : i32 to vector<1320x1xi32>
    %ne3A_284 = arith.cmpi ne, %rem3A_281, %ne3A_283 : vector<1320x1xi32>
    %lt3A_285 = arith.constant 0 : i32
    %lt3A_286 = vector.broadcast %lt3A_285 : i32 to vector<1320x1xi32>
    %lt3A_287 = arith.cmpi slt, %rem3A_281, %lt3A_286 : vector<1320x1xi32>
    %lt3A_288 = arith.constant 0 : i32
    %lt3A_289 = arith.cmpi slt, %select_n3A_279, %lt3A_288 : i32
    %ne3A_290 = vector.broadcast %lt3A_289 : i1 to vector<1320x1xi1>
    %ne3A_291 = vector.broadcast %ne3A_290 : vector<1320x1xi1> to vector<1320x1xi1>
    %ne3A_292 = arith.xori %lt3A_287, %ne3A_291 : vector<1320x1xi1>
    %and3A_293 = arith.andi %ne3A_292, %ne3A_284 : vector<1320x1xi1>
    %add3A_294 = vector.broadcast %select_n3A_279 : i32 to vector<1320x1xi32>
    %add3A_295 = arith.addi %rem3A_281, %add3A_294 : vector<1320x1xi32>
    %select_n3A_296 = arith.select %and3A_293, %add3A_295, %rem3A_281 : vector<1320x1xi1>, vector<1320x1xi32>
    %iota3A_297 = tpu.iota {dimensions = array<i32: 1>} : vector<1320x66xi32>
    %eq3A_298 = vector.broadcast %select_n3A_221 : vector<1320x1xi32> to vector<1320x66xi32>
    %eq3A_299 = arith.cmpi eq, %iota3A_297, %eq3A_298 : vector<1320x66xi32>
    %convert_element_type3A_300 = arith.extui %eq3A_299 : vector<1320x66xi1> to vector<1320x66xi32>
    %convert_element_type3A_301 = arith.sitofp %convert_element_type3A_300 : vector<1320x66xi32> to vector<1320x66xf32>
    %iota3A_302 = tpu.iota {dimensions = array<i32: 1>} : vector<1320x10xi32>
    %eq3A_303 = vector.broadcast %select_n3A_274 : vector<1320x1xi32> to vector<1320x10xi32>
    %eq3A_304 = arith.cmpi eq, %iota3A_302, %eq3A_303 : vector<1320x10xi32>
    %convert_element_type3A_305 = arith.extui %eq3A_304 : vector<1320x10xi1> to vector<1320x10xi32>
    %convert_element_type3A_306 = arith.sitofp %convert_element_type3A_305 : vector<1320x10xi32> to vector<1320x10xf32>
    %iota3A_307 = tpu.iota {dimensions = array<i32: 1>} : vector<1320x2xi32>
    %eq3A_308 = vector.broadcast %select_n3A_296 : vector<1320x1xi32> to vector<1320x2xi32>
    %eq3A_309 = arith.cmpi eq, %iota3A_307, %eq3A_308 : vector<1320x2xi32>
    %convert_element_type3A_310 = arith.extui %eq3A_309 : vector<1320x2xi1> to vector<1320x2xi32>
    %convert_element_type3A_311 = arith.sitofp %convert_element_type3A_310 : vector<1320x2xi32> to vector<1320x2xf32>
    %get3A_312 = arith.constant 0 : index
    %get3A_313 = arith.constant 0 : index
    %get3A_314 = vector.load %arg6[%get3A_312, %get3A_313] : memref<66x192xf32, #tpu.memory_space<vmem>>, vector<66x192xf32>
    %dot_general3A_315 = arith.constant dense<0.000000e+00> : vector<1320x192xf32>
    %dot_general3A_316 = tpu.matmul %convert_element_type3A_301, %get3A_314, %dot_general3A_315 {dimension_numbers = #tpu.dot_dimension_numbers<[1], [0], [0], [1], [0, 0, 1, 1], [], []>, precision = #tpu.contract_precision<fp32>, transpose_lhs_hint = false} : vector<1320x66xf32>, vector<66x192xf32>, vector<1320x192xf32> -> vector<1320x192xf32>
    %get3A_317 = arith.constant 0 : index
    %get3A_318 = arith.constant 0 : index
    %get3A_319 = vector.load %arg7[%get3A_317, %get3A_318] : memref<10x192xf32, #tpu.memory_space<vmem>>, vector<10x192xf32>
    %dot_general3A_320 = arith.constant dense<0.000000e+00> : vector<1320x192xf32>
    %dot_general3A_321 = tpu.matmul %convert_element_type3A_306, %get3A_319, %dot_general3A_320 {dimension_numbers = #tpu.dot_dimension_numbers<[1], [0], [0], [1], [0, 0, 1, 1], [], []>, precision = #tpu.contract_precision<fp32>, transpose_lhs_hint = false} : vector<1320x10xf32>, vector<10x192xf32>, vector<1320x192xf32> -> vector<1320x192xf32>
    %add3A_322 = arith.addf %dot_general3A_316, %dot_general3A_321 : vector<1320x192xf32>
    %get3A_323 = arith.constant 0 : index
    %get3A_324 = arith.constant 0 : index
    %get3A_325 = vector.load %arg8[%get3A_323, %get3A_324] : memref<2x192xf32, #tpu.memory_space<vmem>>, vector<2x192xf32>
    %dot_general3A_326 = arith.constant dense<0.000000e+00> : vector<1320x192xf32>
    %dot_general3A_327 = tpu.matmul %convert_element_type3A_311, %get3A_325, %dot_general3A_326 {dimension_numbers = #tpu.dot_dimension_numbers<[1], [0], [0], [1], [0, 0, 1, 1], [], []>, precision = #tpu.contract_precision<fp32>, transpose_lhs_hint = false} : vector<1320x2xf32>, vector<2x192xf32>, vector<1320x192xf32> -> vector<1320x192xf32>
    %add3A_328 = arith.addf %add3A_322, %dot_general3A_327 : vector<1320x192xf32>
    %swap3A_329 = arith.constant 0 : index
    %swap3A_330 = arith.constant 0 : index
    %swap3A_331 = vector.load %arg10[%swap3A_329, %swap3A_330] : memref<1320x192xf32, #tpu.memory_space<vmem>>, vector<1320x192xf32>
    tpu.vector_store %arg10[%swap3A_329, %swap3A_330], %add3A_328 {strides = array<i32>} : memref<1320x192xf32, #tpu.memory_space<vmem>>, vector<1320x192xf32>,
    return
  }
}

</mosaic_0001>

<sc_bundles>
// kernel: kernel.4.cloned.1.call-start
scs
__scs_entry_jumppad:
0x0: {  	(pc) =	sbr.rel $0x88, $3  }
0x1: {  	(tag) =	ssettag $0x0;
	lr =	simm.s32 $0x1  }
0x2: {  	[smem:$0x3F9A] =	sst lr;
	_ =	strace $0xD0000000  }
0x3: {  	_ = 	snop  }
0x4: {  	_ = 	snop  }
0x5: {  	_ = 	snop  }
0x6: {  	_ = 	snop  }
0x7: {  	_ = 	snop  }
__scs_overlays_trampoline_lowered:
0x8: {  	[smem:$0x3FA9] =	sst s0  }
0x9: {  	[smem:$0x3FAA] =	sst s1  }
0xa: {  	[smem:$0x3FAB] =	sst s2  }
0xb: {  	[smem:$0x3FAC] =	sst s3  }
0xc: {  	[smem:$0x3FAD] =	sst s4  }
0xd: {  	[smem:$0x3FAE] =	sst s5  }
0xe: {  	[smem:$0x3FAF] =	sst s6  }
0xf: {  	[smem:$0x3FB0] =	sst s7  }
0x10: {  	[smem:$0x3FB1] =	sst s8  }
0x11: {  	[smem:$0x3FB2] =	sst s9;
	s0 =	simm.s32 @!p0 $0x0  }
0x12: {  	s1 =	sld [smem:$0x3F98];
	s0 =	simm.s32 @p0 $0x1  }
0x13: {  	[smem:$0x3FB3] =	sst s0;
	s0 =	simm.s32 @!p1 $0x0  }
0x14: {  	s2 =	sld [smem:$0x3F97];
	s0 =	simm.s32 @p1 $0x1  }
0x15: {  	[smem:$0x3FB4] =	sst s0;
	s0 =	simm.s32 @!p2 $0x0  }
0x16: {  	s3 =	sld [smem:$0x3FDB];
	s0 =	simm.s32 @p2 $0x1  }
0x17: {  	s4 =	simm.s32 $0x1BF5;
	[smem:$0x3FB6] =	sst s0  }
0x18: {  	s0 =	sld [smem:$0x3F99];
	_ =	swait.ge [sflag:s4], $0x0  }
0x19: {  	s7 =	sld [smem:$0x3F9A]  }
0x1a: {  	s8 =	sadd.s32 $0xFFFFE003, lr  }
0x1b: {  	s9 =	sadd.s32 $0xFFFFFEF7, lr;
	s5 =	simm.s32 $0xFFFFFFFF;
	p2 =	slt.u32 s8, $0xFFFFF086  }
0x1c: {  	p1 =	slt.u32 s9, $0xF7A;
	s5 =	simm.s32 @!p2 $0x0  }
0x1d: {  	s5 =	simm.s32 @p1 $0x1;
	p0 =	seq.s32 s7, s2  }
0x1e: {  	s7 =	smul.u32 @!p0 $0xF7A, s2;
	p2 =	seq.s32 @!p0 s5, $0x0  }
0x1f: {  	s9 =	smul.u32 $0xF7A, s1;
	s8 =	simm.s32 @!p0 $0x1BF5;
	p2 =	por !p2, p0  }
0x20: {  	[sflag:s8] =	ssyncset.s32 @!p0 $0xFFFFF086;
	s6 =	sadd.s32 @!p0 s3, s7;
	s7 =	simm.s32 @!p0 $0x108  }
0x21: {  	s3 =	sadd.s32 s3, s9;
	s6 =	sadd.s32 @!p0 $0x88, s6;
	s7 =	simm.s32 @p2 $0x1082  }
0x22: {  	[simem:s7], [sflag:s8] =	dma.local @!p0 [hbm:s6], $0xF7A  }
0x23: {  	s9 =	sor.u32 $0xD0000000, s2;
	s6 =	simm.s32 $0x108;
	_ =	swait.ge @!p0 [sflag:s8], $0x0  }
0x24: {  	s3 =	sadd.s32 $0x88, s3;
	s6 =	simm.s32 @!p1 $0x1082;
	[sflag:s4] =	ssyncset.s32 $0xFFFFF086  }
0x25: {  	[simem:s6], [sflag:s4] =	dma.local [hbm:s3], $0xF7A  }
0x26: {  	[smem:$0x3F9A] =	sst s1;
	(tag) =	ssettag s2;
	_ =	strace s9  }
0x27: {  	s1 =	sld [smem:$0x3FAA]  }
0x28: {  	s2 =	sld [smem:$0x3FAB]  }
0x29: {  	s4 =	sld [smem:$0x3FAD]  }
0x2a: {  	p0 =	seq.s32 s5, $0x0;
	s5 =	sld [smem:$0x3FAE]  }
0x2b: {  	s6 =	sld [smem:$0x3FAF]  }
0x2c: {  	s7 =	sld [smem:$0x3FB0]  }
0x2d: {  	s3 =	simm.s32 $0x108;
	s8 =	sld [smem:$0x3FB1]  }
0x2e: {  	s3 =	simm.s32 @!p0 $0x1082;
	s9 =	sld [smem:$0x3FB2]  }
0x2f: {  	lr =	sadd.s32 s0, s3;
	s0 =	sld [smem:$0x3FA9]  }
0x30: {  	s3 =	sld [smem:$0x3FAC]  }
0x31: {  	[smem:$0x3FB5] =	sst s10  }
0x32: {  	s10 =	sld [smem:$0x3FB3];
	_ =	sdelay $0x3  }
0x33: {  	p0 =	seq.s32 s10, $0x1;
	s10 =	sld [smem:$0x3FB5];
	_ =	sdelay $0x3  }
0x34: {  	[smem:$0x3FB5] =	sst s10  }
0x35: {  	s10 =	sld [smem:$0x3FB4];
	_ =	sdelay $0x3  }
0x36: {  	p1 =	seq.s32 s10, $0x1;
	s10 =	sld [smem:$0x3FB5];
	_ =	sdelay $0x3  }
0x37: {  	[smem:$0x3FB5] =	sst s10  }
0x38: {  	s10 =	sld [smem:$0x3FB6]  }
0x39: {  	_ = 	snop;
	(pc) =	sbr.ind lr, $3  }
0x3a: {  	_ = 	snop  }
0x3b: {  	_ = 	snop  }
0x3c: {  	p2 =	seq.s32 s10, $0x1;
	s10 =	sld [smem:$0x3FB5]  }
0x3d: {  	_ =	shalt  }
0x3e: {  	_ =	shalt  }
0x3f: {  	_ =	shalt  }
0x40: {  	_ =	shalt  }
0x41: {  	_ =	shalt  }
0x42: {  	_ =	shalt  }
0x43: {  	_ =	shalt  }
0x44: {  	_ =	shalt  }
0x45: {  	_ =	shalt  }
0x46: {  	_ =	shalt  }
0x47: {  	_ =	shalt  }
0x48: {  	_ =	shalt  }
0x49: {  	_ =	shalt  }
0x4a: {  	_ =	shalt  }
0x4b: {  	_ =	shalt  }
0x4c: {  	_ =	shalt  }
0x4d: {  	_ =	shalt  }
0x4e: {  	_ =	shalt  }
0x4f: {  	_ =	shalt  }
0x50: {  	_ =	shalt  }
0x51: {  	_ =	shalt  }
0x52: {  	_ =	shalt  }
0x53: {  	_ =	shalt  }
0x54: {  	_ =	shalt  }
0x55: {  	_ =	shalt  }
0x56: {  	_ =	shalt  }
0x57: {  	_ =	shalt  }
0x58: {  	_ =	shalt  }
0x59: {  	_ =	shalt  }
0x5a: {  	_ =	shalt  }
0x5b: {  	_ =	shalt  }
0x5c: {  	_ =	shalt  }
0x5d: {  	_ =	shalt  }
0x5e: {  	_ =	shalt  }
0x5f: {  	_ =	shalt  }
0x60: {  	_ =	shalt  }
0x61: {  	_ =	shalt  }
0x62: {  	_ =	shalt  }
0x63: {  	_ =	shalt  }
0x64: {  	_ =	shalt  }
0x65: {  	_ =	shalt  }
0x66: {  	_ =	shalt  }
0x67: {  	_ =	shalt  }
0x68: {  	_ =	shalt  }
0x69: {  	_ =	shalt  }
0x6a: {  	_ =	shalt  }
0x6b: {  	_ =	shalt  }
0x6c: {  	_ =	shalt  }
0x6d: {  	_ =	shalt  }
0x6e: {  	_ =	shalt  }
0x6f: {  	_ =	shalt  }
0x70: {  	_ =	shalt  }
0x71: {  	_ =	shalt  }
0x72: {  	_ =	shalt  }
0x73: {  	_ =	shalt  }
0x74: {  	_ =	shalt  }
0x75: {  	_ =	shalt  }
0x76: {  	_ =	shalt  }
0x77: {  	_ =	shalt  }
0x78: {  	_ =	shalt  }
0x79: {  	_ =	shalt  }
0x7a: {  	_ =	shalt  }
0x7b: {  	_ =	shalt  }
0x7c: {  	_ =	shalt  }
0x7d: {  	_ =	shalt  }
0x7e: {  	_ =	shalt  }
0x7f: {  	_ =	shalt  }
0x80: {  	_ =	shalt  }
0x81: {  	_ =	shalt  }
0x82: {  	_ =	shalt  }
0x83: {  	_ =	shalt  }
0x84: {  	_ =	shalt  }
0x85: {  	_ =	shalt  }
0x86: {  	_ =	shalt  }
0x87: {  	_ =	shalt  }
.Lfunc_end0:
.L_simem_size_0:
called_computation.1_lowered:
.L_overlay_start_0:
0x88: {  	s2 =	sld [smem:$0x3FD9]  }
0x89: {  	s3 =	sld [smem:$0x3FFE];
	_ =	sdelay $0x1  }
0x8a: {  	s1 =	srdreg.scid  }
0x8b: {  	s0 =	sand.u32 $0x1, s1  }
0x8c: {  	s17 =	sshll.u32 s0, $0xA;
	s2 =	sadd.s32 s3, s2  }
0x8d: {  	s2 =	sadd.s32 s2, s17  }
0x8e: {  	[smem:$0x3FC1] =	sst s2  }
0x8f: {  	_ = 	snop  }
0x90: {  	s2 =	sld [smem:$0x3FD0];
	(tm) =	ssettm $0x1  }
0x91: {  	s18 =	sld [smem:$0x3FFB];
	_ =	sdelay $0x3  }
0x92: {  	_ =	strace s18  }
0x93: {  	s3 =	sld [smem:$0x3FFC];
	_ =	sdelay $0x3  }
0x94: {  	_ =	strace s3  }
0x95: {  	s3 =	sld [smem:$0x3FFD];
	_ =	sdelay $0x3  }
0x96: {  	_ =	strace s3  }
0x97: {  	_ =	strace $0x8FFFFFFF  }
0x98: {  	s19 =	sld [smem:$0x3FDB];
	_ =	sdelay $0x1  }
0x99: {  	s4 =	simm.s32 $_scs_section_size  }
0x9a: {  	s5 =	simm.s32 $_size__tile_overlayer_lowered;
	s6 =	simm.s32 $_tile_overlayer_lowered  }
0x9b: {  	s22 =	simm.s32 $0x1BFF;
	s21 =	sshll.u32 s6, $0x1;
	s3 =	sadd.s32 s4, s19  }
0x9c: {  	s7 =	simm.s32 $0x0;
	s20 =	sshll.u32 s5, $0x1;
	s5 =	sadd.s32 s21, s3  }
0x9d: {  	[timem:s7], [sflag:s22] =	dma.local [hbm:s5], s20  }
0x9e: {  	_ =	swait.ge [sflag:s22], s20  }
0x9f: {  	s4 =	ssub.s32 $0x0, s20;
	[sflag:s22] =	ssyncset.done $0x0  }
0xa0: {  	[sflag:s22] =	ssyncadd.s32 s4;
	_ =	sdelay $0x1  }
0xa1: {  	s23 =	simm.s32 $0x1B8B  }
0xa2: {  	_ =	swait.ge [sflag:s23], $0x1  }
0xa3: {  	[sflag:s23] =	ssyncset.done $0x0  }
0xa4: {  	s25 =	simm.s32 $0x1B8E;
	s24 =	sld [smem:$0x3FFE];
	[sflag:s23] =	ssyncadd.s32 $0xFFFFFFFF  }
0xa5: {  	s26 =	simm.s32 $execute0_lowered;
	[smem:$0x3FD2] =	sst s25  }
0xa6: {  	s5 =	sshll.u32 s26, $0x1;
	_ =	strace $0x80000046;
	[dreg:$0x1] =	wrdreg $0xFFFFFFFF  }
0xa7: {  	s28 =	simm.s32 $_size_execute0_lowered;
	s3 =	sadd.s32 s3, s5;
	[dreg:$0x0] =	wrdreg $0x0  }
0xa8: {  	s5 =	sshll.u32 s28, $0x1;
	[dreg:$0x2] =	wrdreg s3  }
0xa9: {  	[dreg:$0x3] =	wrdreg s5  }
0xaa: {  	[dreg:$0x4] =	wrdreg $0xC0  }
0xab: {  	_ =	task [dreg:s7], $0x5FFFF  }
0xac: {  	[dreg:$0x1] =	wrdreg $0xFFFFFFFF  }
0xad: {  	[dreg:$0x0] =	wrdreg $0x60  }
0xae: {  	[dreg:$0x2] =	wrdreg s24  }
0xaf: {  	[dreg:$0x3] =	wrdreg s2  }
0xb0: {  	[dreg:$0x4] =	wrdreg $0x1A0000  }
0xb1: {  	[dreg:$0x5] =	wrdreg $0x9  }
0xb2: {  	_ =	task.clear_ibuf [dreg:s7], $0x6FFFF;
	_ =	strace $0x90000046  }
0xb3: {  	s29 =	simm.s32 $0x9;
	_ =	strace $0x80000048  }
0xb4: {  	_ =	swait.ge [sflag:s29], $0x1  }
0xb5: {  	[sflag:s29] =	ssyncadd.s32 $0xFFFFFFFF  }
0xb6: {  	_ =	strace $0x90000048  }
0xb7: {  	_ =	sfence  }
0xb8: {  	s30 =	sld [smem:$0x0];
	_ =	sdelay $0x2  }
0xb9: {  	s31 =	sshll.u32 s1, $0xD;
	s1 =	sshrl.u32 s1, $0x2  }
0xba: {  	s3 =	sand.u32 $0x4000, s31;
	s1 =	sadd.s32 s1, s30  }
0xbb: {  	s0 =	sor.u32 s3, s0;
	s1 =	sshll.u32 s1, $0x11  }
0xbc: {  	s0 =	sor.u32 s1, s0  }
0xbd: {  	s0 =	sadd.s32 $0x8F2B, s0  }
0xbe: {  	[sflag:s0] =	ssyncadd.remote.s32 $0x1  }
0xbf: {  	_ =	sfence.sel $0xFFFF  }
0xc0: {  	[dreg:$0x0] =	wrdreg $0xFFFFFFFF;
	(pc) =	sbr.abs _section_cstart, $3  }
0xc1: {  	[dreg:$0x1] =	wrdreg $0xFFFFFFFF  }
0xc2: {  	_ =	task.clear_ibuf [dreg:s7], $0x2FFFF;
	_ =	strace $0x9FFFFFFF  }
0xc3: {  	(tm) =	ssettm $0x7FFFFFFF  }
tec
execute0_lowered:
.L_overlay_start_1:
0x0: {  	(tag) =	ssettag $0x1  }
0x1: {  	s3 =	rddreg [dreg:$0x0]  }
0x2: {  	s8 =	rddreg [dreg:$0x1]  }
0x3: {  	s1 =	rddreg [dreg:$0x2]  }
0x4: {  	s2 =	simm.s32 $0x0;
	s4 =	srdreg.scid;
	s9 =	stileid.u32  }
0x5: {  	s13 =	simm.s32 $0x1;
	s14 =	simm.s32 $0xE000;
	s15 =	simm.s32 $0x3  }
0x6: {  	s16 =	simm.s32 $0x14000;
	s17 =	simm.s32 $0x4;
	s18 =	simm.s32 $0x5  }
0x7: {  	s19 =	simm.s32 $0x6;
	s20 =	simm.s32 $0x7;
	s21 =	simm.s32 $0x8  }
0x8: {  	s22 =	simm.s32 $0x0;
	[smem:$0x7FF] =	sst s2;
	s7 =	smul.u32 $0x60000, s9  }
0x9: {  	s4 =	sand.u32 $0x1, s4;
	s5 =	sshll.u32 s9, $0xB;
	s10 =	smul.u32 $0x300000, s9  }
0xa: {  	s0 =	sadd.s32 $0x9800, s3;
	p0 =	sne.s32 s9, $0x0;
	s9 =	simm.s32 $0x9  }
0xb: {  	_ =	strace $0x80000047;
	s6 =	sshll.u32 s4, $0xA;
	s12 =	smul.u32 $0x180000, s4  }
0xc: {  	s25 =	ssub.s32 $0x2, s4;
	[dreg:$0x4] =	wrdreg s0;
	s26 =	smul.u32 $0x30000, s4  }
0xd: {  	s5 =	sor.u32 s6, s5;
	s11 =	sshrl.u32 s25, $0x1;
	s7 =	sadd.s32 s7, s8  }
0xe: {  	s5 =	sadd.s32 s5, s3;
	s6 =	ssub.s32 s25, s11;
	s10 =	sadd.s32 s12, s10  }
0xf: {  	s30 =	sadd.s32 s26, s7;
	s11 =	simm.s32 $0x80;
	s12 =	simm.s32 $0x2000  }
0x10: {  	s28 =	sadd.s32 $0x1800, s5;
	s29 =	smax.u32 s6, $0x1;
	s31 =	sor.u32 $0x12000, s10  }
0x11: {  	s6 =	sadd.s32 $0xC00, s30;
	s10 =	sor.u32 $0xC000, s10;
	[dreg:$0x5] =	wrdreg s28  }
0x12: {  	[dreg:$0x6] =	wrdreg s29;
	s7 =	sshrl.u32 s31, $0x3;
	s10 =	sshrl.u32 s10, $0x3  }
0x13: {  	s7 =	sadd.s32 s7, s8;
	s8 =	sadd.s32 s10, s8;
	s10 =	sshrl.u32 @!p0 s1, $0x3  }
.LBB2_1:
0x14: {  	s0 =	rddreg [dreg:$0x5]  }
0x15: {  	[tilespmem:s2], [sflag:$0x9] =	stream.linear.gather [hbm4b:s0+s2], $0x2000, $0x38;
	[tilespmem:$0x1DDE0] =	vst v63  }
0x16: {  	_ =	swait.ge [sflag:s9], $0x2000  }
0x17: {  	[sflag:s9] =	ssyncset.done $0x0  }
0x18: {  	s23 =	simm.s32 @!p0 $0x1C09;
	s0 =	rddreg [dreg:$0x4];
	[sflag:s9] =	ssyncadd.s32 $0xFFFFE000  }
0x19: {  	[spmem:s10], [sflag:s23] =	dma.local @!p0 [hbm:s0], $0x7BC0  }
0x1a: {  	s23 =	simm.s32 @!p0 $0x9  }
0x1b: {  	_ =	swait.ge @!p0 [sflag:s23], $0x7BC0  }
0x1c: {  	[sflag:s23] =	ssyncset.done @!p0 $0x0  }
0x1d: {  	p1 =	por $0x1, $0x1;
	[sflag:s23] =	ssyncadd.s32 @!p0 $0xFFFF8440  }
0x1e: {  	s23 =	simm.s32 @!p1 $0x5;
	[bflag:$0x0] =	sbarrier.arrive $0xFFFF  }
0x1f: {  	_ =	swait.ge @!p1 [sflag:s23], $0x6000  }
0x20: {  	[sflag:s23] =	ssyncset.done @!p1 $0x0  }
0x21: {  	s25 =	simm.s32 $0x0;
	[sflag:s23] =	ssyncadd.s32 @!p1 $0xFFFFA000  }
0x22: {  	[tilespmem:s12], [sflag:$0x1] =	stream.indirect.gather [spmem:s1], $0xC0, s25, s11, $0xb8;
	[tilespmem:$0x1DDE0] =	vst v63  }
0x23: {  	_ =	swait.ge [sflag:s13], $0x6000  }
0x24: {  	[sflag:s13] =	ssyncset.done $0x0  }
0x25: {  	s26 =	sadd.s32 $0xFFFFF400, s6;
	s24 =	simm.s32 @p1 $0x2;
	[sflag:s13] =	ssyncadd.s32 $0xFFFFA000  }
0x26: {  	[hbm4b:s26+s2] =	stream.linear.scatter [tilespmem:s12], [sflag:$0x5], $0x6000, $0x38;
	[tilespmem:$0x1DDE0] =	vst v63  }
0x27: {  	s23 =	simm.s32 @p1 $0x80;
	s25 =	simm.s32 @p1 $0x80;
	s26 =	simm.s32 @p1 $0x8000  }
0x28: {  	[tilespmem:s26], [sflag:$0x2] =	stream.indirect.gather @p1 [spmem:s1], $0xC0, s23, s25, $0xb8;
	[tilespmem:$0x1DDE0] =	vst v63  }
0x29: {  	_ =	swait.ge @p1 [sflag:s24], $0x6000  }
0x2a: {  	[sflag:s24] =	ssyncset.done @p1 $0x0  }
0x2b: {  	s23 =	simm.s32 @p1 $0x0;
	[sflag:s24] =	ssyncadd.s32 @p1 $0xFFFFA000;
	s24 =	simm.s32 @!p1 $0x6  }
0x2c: {  	[hbm4b:s6+s23] =	stream.linear.scatter @p1 [tilespmem:s26], [sflag:$0x6], $0x6000, $0x38;
	[tilespmem:$0x1DDE0] =	vst v63  }
0x2d: {  	_ =	swait.ge @!p1 [sflag:s24], $0x6000  }
0x2e: {  	s25 =	simm.s32 @!p1 $0x8000;
	s23 =	simm.s32 @!p1 $0x2;
	[sflag:s24] =	ssyncset.done @!p1 $0x0  }
0x2f: {  	s26 =	simm.s32 @!p1 $0x80;
	[sflag:s24] =	ssyncadd.s32 @!p1 $0xFFFFA000;
	s24 =	simm.s32 @!p1 $0x80  }
0x30: {  	[tilespmem:s25], [sflag:$0x2] =	stream.indirect.gather @!p1 [spmem:s1], $0xC0, s24, s26, $0xb8;
	[tilespmem:$0x1DDE0] =	vst v63  }
0x31: {  	_ =	swait.ge @!p1 [sflag:s23], $0x6000  }
0x32: {  	[sflag:s23] =	ssyncset.done @!p1 $0x0  }
0x33: {  	s24 =	simm.s32 @!p1 $0x7;
	[sflag:s23] =	ssyncadd.s32 @!p1 $0xFFFFA000;
	s23 =	simm.s32 @!p1 $0x0  }
0x34: {  	[hbm4b:s6+s23] =	stream.linear.scatter @!p1 [tilespmem:s25], [sflag:$0x6], $0x6000, $0x38;
	[tilespmem:$0x1DDE0] =	vst v63  }
0x35: {  	_ =	swait.ge @!p1 [sflag:s24], $0x6000  }
0x36: {  	[sflag:s24] =	ssyncset.done @!p1 $0x0  }
0x37: {  	s30 =	simm.s32 $0x100;
	[sflag:s24] =	ssyncadd.s32 @!p1 $0xFFFFA000  }
0x38: {  	[tilespmem:s14], [sflag:$0x3] =	stream.indirect.gather [spmem:s1], $0xC0, s30, s11, $0xb8;
	[tilespmem:$0x1DDE0] =	vst v63  }
0x39: {  	_ =	swait.ge [sflag:s15], $0x6000  }
0x3a: {  	[sflag:s15] =	ssyncset.done $0x0  }
0x3b: {  	s23 =	simm.s32 @!p1 $0x8;
	[sflag:s15] =	ssyncadd.s32 $0xFFFFA000  }
0x3c: {  	[hbm4b:s8+s2] =	stream.linear.scatter [tilespmem:s14], [sflag:$0x7], $0x6000, $0x38;
	[tilespmem:$0x1DDE0] =	vst v63  }
0x3d: {  	_ =	swait.ge @!p1 [sflag:s23], $0x6000  }
0x3e: {  	s28 =	simm.s32 $0x1000;
	s31 =	simm.s32 $0x180;
	[sflag:s23] =	ssyncset.done @!p1 $0x0  }
0x3f: {  	s29 =	smov.u32 s7;
	s26 =	simm.s32 $0x800;
	[sflag:s23] =	ssyncadd.s32 @!p1 $0xFFFFA000  }
0x40: {  	[tilespmem:s16], [sflag:$0x4] =	stream.indirect.gather [spmem:s1], $0xC0, s31, s11, $0xb8;
	[tilespmem:$0x1DDE0] =	vst v63  }
0x41: {  	s25 =	sadd.s32 $0x3000, s6;
	s24 =	sadd.s32 $0x3000, s8;
	_ =	swait.ge [sflag:s17], $0x6000  }
0x42: {  	s23 =	sadd.s32 $0x3000, s7;
	p1 =	por $0x0, $0x0;
	[sflag:s17] =	ssyncset.done $0x0  }
.LBB2_2:
0x43: {  	s30 =	simm.s32 @!p1 $0x5  }
0x44: {  	[sflag:s17] =	ssyncadd.s32 $0xFFFFA000;
	s31 =	smov.u32 s28;
	s28 =	sadd.s32 $0x800, s28  }
0x45: {  	[hbm4b:s29+s2] =	stream.linear.scatter [tilespmem:s16], [sflag:$0x8], $0x6000, $0x38;
	[tilespmem:$0x1DDE0] =	vst v63  }
0x46: {  	p2 =	sne.s32 s28, $0x8000;
	s29 =	smov.u32 s23;
	_ =	swait.ge @!p1 [sflag:s30], $0x6000  }
0x47: {  	[sflag:s30] =	ssyncset.done @!p1 $0x0  }
0x48: {  	[sflag:s30] =	ssyncadd.s32 @!p1 $0xFFFFA000;
	s30 =	sshra.s32 s26, $0x2  }
0x49: {  	[tilespmem:s12], [sflag:$0x1] =	stream.indirect.gather [spmem:s1], $0xC0, s30, s11, $0xb8;
	[tilespmem:$0x1DDE0] =	vst v63  }
0x4a: {  	_ =	swait.ge [sflag:s13], $0x6000  }
0x4b: {  	s0 =	sadd.s32 $0xFFFFF400, s25;
	[sflag:s13] =	ssyncset.done $0x0  }
0x4c: {  	s3 =	sshra.s32 @p1 s26, $0x2;
	s4 =	simm.s32 @p1 $0x2;
	[sflag:s13] =	ssyncadd.s32 $0xFFFFA000  }
0x4d: {  	[hbm4b:s0+s2] =	stream.linear.scatter [tilespmem:s12], [sflag:$0x5], $0x6000, $0x38;
	[tilespmem:$0x1DDE0] =	vst v63  }
0x4e: {  	s5 =	simm.s32 @p1 $0x8000;
	s0 =	sadd.s32 @p1 $0x80, s3;
	s3 =	simm.s32 @p1 $0x80  }
0x4f: {  	[tilespmem:s5], [sflag:$0x2] =	stream.indirect.gather @p1 [spmem:s1], $0xC0, s0, s3, $0xb8;
	[tilespmem:$0x1DDE0] =	vst v63  }
0x50: {  	_ =	swait.ge @p1 [sflag:s4], $0x6000  }
0x51: {  	[sflag:s4] =	ssyncset.done @p1 $0x0  }
0x52: {  	s0 =	simm.s32 @p1 $0x0;
	s3 =	simm.s32 @!p1 $0x6;
	[sflag:s4] =	ssyncadd.s32 @p1 $0xFFFFA000  }
0x53: {  	[hbm4b:s25+s0] =	stream.linear.scatter @p1 [tilespmem:s5], [sflag:$0x6], $0x6000, $0x38;
	[tilespmem:$0x1DDE0] =	vst v63  }
0x54: {  	s0 =	simm.s32 @!p1 $0x2;
	_ =	swait.ge @!p1 [sflag:s3], $0x6000  }
0x55: {  	s4 =	sshra.s32 @!p1 s26, $0x2;
	s5 =	simm.s32 @!p1 $0x8000;
	[sflag:s3] =	ssyncset.done @!p1 $0x0  }
0x56: {  	[sflag:s3] =	ssyncadd.s32 @!p1 $0xFFFFA000;
	s3 =	sadd.s32 @!p1 $0x80, s4;
	s4 =	simm.s32 @!p1 $0x80  }
0x57: {  	[tilespmem:s5], [sflag:$0x2] =	stream.indirect.gather @!p1 [spmem:s1], $0xC0, s3, s4, $0xb8;
	[tilespmem:$0x1DDE0] =	vst v63  }
0x58: {  	s26 =	smov.u32 s31;
	_ =	swait.ge @!p1 [sflag:s0], $0x6000  }
0x59: {  	[sflag:s0] =	ssyncset.done @!p1 $0x0  }
0x5a: {  	s3 =	simm.s32 @!p1 $0x7;
	[sflag:s0] =	ssyncadd.s32 @!p1 $0xFFFFA000;
	s0 =	simm.s32 @!p1 $0x0  }
0x5b: {  	[hbm4b:s25+s0] =	stream.linear.scatter @!p1 [tilespmem:s5], [sflag:$0x6], $0x6000, $0x38;
	[tilespmem:$0x1DDE0] =	vst v63  }
0x5c: {  	_ =	swait.ge @!p1 [sflag:s3], $0x6000  }
0x5d: {  	[sflag:s3] =	ssyncset.done @!p1 $0x0  }
0x5e: {  	s0 =	sadd.s32 $0x100, s30;
	[sflag:s3] =	ssyncadd.s32 @!p1 $0xFFFFA000  }
0x5f: {  	[tilespmem:s14], [sflag:$0x3] =	stream.indirect.gather [spmem:s1], $0xC0, s0, s11, $0xb8;
	[tilespmem:$0x1DDE0] =	vst v63  }
0x60: {  	_ =	swait.ge [sflag:s15], $0x6000  }
0x61: {  	[sflag:s15] =	ssyncset.done $0x0  }
0x62: {  	s0 =	simm.s32 @!p1 $0x8;
	[sflag:s15] =	ssyncadd.s32 $0xFFFFA000  }
0x63: {  	[hbm4b:s24+s2] =	stream.linear.scatter [tilespmem:s14], [sflag:$0x7], $0x6000, $0x38;
	[tilespmem:$0x1DDE0] =	vst v63  }
0x64: {  	_ =	swait.ge @!p1 [sflag:s0], $0x6000  }
.Ltmp0:
0x65: {  	[sflag:s0] =	ssyncset.done @!p1 $0x0;
	(pc) =	sbr.rel @p2 .LBB2_2-.Ltmp0, $4  }
0x66: {  	[sflag:s0] =	ssyncadd.s32 @!p1 $0xFFFFA000;
	s0 =	sadd.s32 $0x180, s30  }
0x67: {  	[tilespmem:s16], [sflag:$0x4] =	stream.indirect.gather [spmem:s1], $0xC0, s0, s11, $0xb8;
	[tilespmem:$0x1DDE0] =	vst v63  }
0x68: {  	s23 =	sadd.s32 $0x3000, s23;
	s24 =	sadd.s32 $0x3000, s24;
	_ =	swait.ge [sflag:s17], $0x6000  }
0x69: {  	s25 =	sadd.s32 $0x3000, s25;
	p1 =	seq.s32 s26, $0x0;
	[sflag:s17] =	ssyncset.done $0x0  }
0x6a: {  	s0 =	simm.s32 @!p1 $0x5;
	[sflag:s17] =	ssyncadd.s32 $0xFFFFA000  }
0x6b: {  	[hbm4b:s29+s2] =	stream.linear.scatter [tilespmem:s16], [sflag:$0x8], $0x6000, $0x38;
	[tilespmem:$0x1DDE0] =	vst v63  }
0x6c: {  	_ =	swait.ge @!p1 [sflag:s0], $0x6000  }
0x6d: {  	[sflag:s0] =	ssyncset.done @!p1 $0x0  }
0x6e: {  	s29 =	sshra.s32 s26, $0x2;
	[sflag:s0] =	ssyncadd.s32 @!p1 $0xFFFFA000  }
0x6f: {  	[tilespmem:s12], [sflag:$0x1] =	stream.indirect.gather [spmem:s1], $0xC0, s29, s11, $0xb8;
	[tilespmem:$0x1DDE0] =	vst v63  }
0x70: {  	_ =	swait.ge [sflag:s13], $0x6000  }
0x71: {  	s3 =	sadd.s32 $0xFFFFF400, s25;
	[sflag:s13] =	ssyncset.done $0x0  }
0x72: {  	s4 =	sshra.s32 @p1 s26, $0x2;
	s5 =	simm.s32 @p1 $0x2;
	[sflag:s13] =	ssyncadd.s32 $0xFFFFA000  }
0x73: {  	[hbm4b:s3+s2] =	stream.linear.scatter [tilespmem:s12], [sflag:$0x5], $0x6000, $0x38;
	[tilespmem:$0x1DDE0] =	vst v63  }
0x74: {  	s28 =	simm.s32 @p1 $0x8000;
	s3 =	sadd.s32 @p1 $0x80, s4;
	s4 =	simm.s32 @p1 $0x80  }
0x75: {  	[tilespmem:s28], [sflag:$0x2] =	stream.indirect.gather @p1 [spmem:s1], $0xC0, s3, s4, $0xb8;
	[tilespmem:$0x1DDE0] =	vst v63  }
0x76: {  	_ =	swait.ge @p1 [sflag:s5], $0x6000  }
0x77: {  	[sflag:s5] =	ssyncset.done @p1 $0x0  }
0x78: {  	s3 =	simm.s32 @p1 $0x0;
	s4 =	simm.s32 @!p1 $0x6;
	[sflag:s5] =	ssyncadd.s32 @p1 $0xFFFFA000  }
0x79: {  	[hbm4b:s25+s3] =	stream.linear.scatter @p1 [tilespmem:s28], [sflag:$0x6], $0x6000, $0x38;
	[tilespmem:$0x1DDE0] =	vst v63  }
0x7a: {  	s5 =	sshra.s32 @!p1 s26, $0x2;
	_ =	swait.ge @!p1 [sflag:s4], $0x6000  }
0x7b: {  	s26 =	simm.s32 @!p1 $0x8000;
	s3 =	simm.s32 @!p1 $0x2;
	[sflag:s4] =	ssyncset.done @!p1 $0x0  }
0x7c: {  	[sflag:s4] =	ssyncadd.s32 @!p1 $0xFFFFA000;
	s4 =	sadd.s32 @!p1 $0x80, s5;
	s5 =	simm.s32 @!p1 $0x80  }
0x7d: {  	[tilespmem:s26], [sflag:$0x2] =	stream.indirect.gather @!p1 [spmem:s1], $0xC0, s4, s5, $0xb8;
	[tilespmem:$0x1DDE0] =	vst v63  }
0x7e: {  	_ =	swait.ge @!p1 [sflag:s3], $0x6000  }
0x7f: {  	[sflag:s3] =	ssyncset.done @!p1 $0x0  }
0x80: {  	s4 =	simm.s32 @!p1 $0x7;
	[sflag:s3] =	ssyncadd.s32 @!p1 $0xFFFFA000;
	s3 =	simm.s32 @!p1 $0x0  }
0x81: {  	[hbm4b:s25+s3] =	stream.linear.scatter @!p1 [tilespmem:s26], [sflag:$0x6], $0x6000, $0x38;
	[tilespmem:$0x1DDE0] =	vst v63  }
0x82: {  	_ =	swait.ge @!p1 [sflag:s4], $0x6000  }
0x83: {  	[sflag:s4] =	ssyncset.done @!p1 $0x0  }
0x84: {  	s30 =	sadd.s32 $0x100, s29;
	[sflag:s4] =	ssyncadd.s32 @!p1 $0xFFFFA000  }
0x85: {  	[tilespmem:s14], [sflag:$0x3] =	stream.indirect.gather [spmem:s1], $0xC0, s30, s11, $0xb8;
	[tilespmem:$0x1DDE0] =	vst v63  }
0x86: {  	_ =	swait.ge [sflag:s15], $0x6000  }
0x87: {  	[sflag:s15] =	ssyncset.done $0x0  }
0x88: {  	s3 =	simm.s32 @!p1 $0x8;
	[sflag:s15] =	ssyncadd.s32 $0xFFFFA000  }
0x89: {  	[hbm4b:s24+s2] =	stream.linear.scatter [tilespmem:s14], [sflag:$0x7], $0x6000, $0x38;
	[tilespmem:$0x1DDE0] =	vst v63  }
0x8a: {  	_ =	swait.ge @!p1 [sflag:s3], $0x6000  }
0x8b: {  	[sflag:s3] =	ssyncset.done @!p1 $0x0  }
0x8c: {  	s0 =	sadd.s32 $0x180, s29;
	[sflag:s3] =	ssyncadd.s32 @!p1 $0xFFFFA000  }
0x8d: {  	[tilespmem:s16], [sflag:$0x4] =	stream.indirect.gather [spmem:s1], $0xC0, s0, s11, $0xb8;
	[tilespmem:$0x1DDE0] =	vst v63  }
0x8e: {  	_ =	swait.ge [sflag:s17], $0x6000  }
0x8f: {  	[sflag:s17] =	ssyncset.done $0x0  }
0x90: {  	[sflag:s17] =	ssyncadd.s32 $0xFFFFA000  }
0x91: {  	[hbm4b:s23+s2] =	stream.linear.scatter [tilespmem:s16], [sflag:$0x8], $0x6000, $0x38;
	[tilespmem:$0x1DDE0] =	vst v63  }
0x92: {  	_ =	swait.ge [sflag:s18], $0x6000  }
0x93: {  	[sflag:s18] =	ssyncset.done $0x0  }
0x94: {  	[sflag:s18] =	ssyncadd.s32 $0xFFFFA000  }
0x95: {  	_ =	swait.ge [sflag:s19], $0x6000  }
0x96: {  	[sflag:s19] =	ssyncset.done $0x0  }
0x97: {  	[sflag:s19] =	ssyncadd.s32 $0xFFFFA000  }
0x98: {  	_ =	swait.ge [sflag:s20], $0x6000  }
0x99: {  	[sflag:s20] =	ssyncset.done $0x0  }
0x9a: {  	[sflag:s20] =	ssyncadd.s32 $0xFFFFA000  }
0x9b: {  	_ =	swait.ge [sflag:s21], $0x6000  }
0x9c: {  	s22 =	sadd.s32 $0x1, s22;
	s31 =	rddreg [dreg:$0x6]  }
0x9d: {  	p1 =	sne.s32 s22, s31  }
.Ltmp1:
0x9e: {  	_ = 	snop;
	(pc) =	sbr.rel @p1 .LBB2_1-.Ltmp1, $3  }
0x9f: {  	_ =	sdelay $0x1  }
0xa0: {  	[sflag:s21] =	ssyncset.done $0x0  }
0xa1: {  	[sflag:s21] =	ssyncadd.s32 $0xFFFFA000  }
0xa2: {  	_ =	sfence.sel $0x180000  }
0xa3: {  	[bflag:$0x0] =	sbarrier.arrive $0xFFFF  }
0xa4: {  	_ =	strace $0x90000047  }
0xa5: {  	[bflag:$0x2] =	sbarrier.arrive $0xFFFF  }
0xa6: {  	s0 =	rddreg [dreg:$0x3]  }
0xa7: {  	s0 =	sadd.s32 @!p0 $0x100000, s0  }
0xa8: {  	[sflag:s0] =	ssyncadd.tile.s32 @!p0 $0x1;
	_ =	shalt  }
.Lfunc_end2:
_tile_overlayer_lowered:
.L_overlay_start_2:
0xa9: {  	(tag) =	ssettag $0x2  }
0xaa: {  	s0 =	rddreg [dreg:$0x0];
	s2 =	stileid.u32  }
0xab: {  	s1 =	rddreg [dreg:$0x1];
	p0 =	sne.s32 s2, $0x0  }
0xac: {  	s3 =	rddreg [dreg:$0x2];
	[bflag:$0x3] =	sbarrier.arrive $0xFFFF;
	s2 =	simm.s32 @!p0 $0x1C09  }
0xad: {  	[timem:s3], [sflag:s2] =	dma.local @!p0 [hbm:s0], s1  }
0xae: {  	s0 =	simm.s32 @!p0 $0x9  }
0xaf: {  	_ =	swait.ge @!p0 [sflag:s0], s1  }
0xb0: {  	s1 =	ssub.s32 @!p0 $0x0, s1;
	[sflag:s0] =	ssyncset.done @!p0 $0x0  }
0xb1: {  	[sflag:s0] =	ssyncadd.s32 @!p0 s1  }
0xb2: {  	[bflag:$0x3] =	sbarrier.arrive $0xFFFF  }
0xb3: {  	_ =	shalt  }

// kernel: sparse-core-data-format-call.cloned.1.call-start
scs
called_computation_lowered:
.L_overlay_start_0:
0x0: {  	s2 =	sld [smem:$0x3FD9]  }
0x1: {  	s3 =	sld [smem:$0x3FFE];
	_ =	sdelay $0x1  }
0x2: {  	s1 =	srdreg.scid  }
0x3: {  	s0 =	sand.u32 $0x1, s1  }
0x4: {  	s18 =	sshll.u32 s0, $0xA;
	s2 =	sadd.s32 s3, s2  }
0x5: {  	s2 =	sadd.s32 s2, s18  }
0x6: {  	[smem:$0x3FC1] =	sst s2  }
0x7: {  	_ = 	snop  }
0x8: {  	s2 =	sld [smem:$0x3FD0];
	(tm) =	ssettm $0x1  }
0x9: {  	s19 =	sld [smem:$0x3FFB];
	_ =	sdelay $0x3  }
0xa: {  	_ =	strace s19  }
0xb: {  	s3 =	sld [smem:$0x3FFC];
	_ =	sdelay $0x3  }
0xc: {  	_ =	strace s3  }
0xd: {  	s3 =	sld [smem:$0x3FFD];
	_ =	sdelay $0x3  }
0xe: {  	_ =	strace s3  }
0xf: {  	_ =	strace $0x8FFFFFFF  }
0x10: {  	s20 =	sld [smem:$0x3FDB];
	_ =	sdelay $0x1  }
0x11: {  	s4 =	simm.s32 $_scs_section_size  }
0x12: {  	s5 =	simm.s32 $_size__tile_overlayer_lowered;
	s6 =	simm.s32 $_tile_overlayer_lowered  }
0x13: {  	s23 =	simm.s32 $0x1BFF;
	s22 =	sshll.u32 s6, $0x1;
	s3 =	sadd.s32 s4, s20  }
0x14: {  	s7 =	simm.s32 $0x0;
	s21 =	sshll.u32 s5, $0x1;
	s5 =	sadd.s32 s22, s3  }
0x15: {  	[timem:s7], [sflag:s23] =	dma.local [hbm:s5], s21  }
0x16: {  	_ =	swait.ge [sflag:s23], s21  }
0x17: {  	s4 =	ssub.s32 $0x0, s21;
	[sflag:s23] =	ssyncset.done $0x0  }
0x18: {  	[sflag:s23] =	ssyncadd.s32 s4;
	_ =	sdelay $0x1  }
0x19: {  	s24 =	simm.s32 $0x1B8B  }
0x1a: {  	_ =	swait.ge [sflag:s24], $0x1  }
0x1b: {  	[sflag:s24] =	ssyncset.done $0x0  }
0x1c: {  	s26 =	simm.s32 $0x1B8E;
	s25 =	sld [smem:$0x3FFE];
	[sflag:s24] =	ssyncadd.s32 $0xFFFFFFFF  }
0x1d: {  	s27 =	simm.s32 $execute0_lowered;
	[smem:$0x3FD2] =	sst s26  }
0x1e: {  	s5 =	sshll.u32 s27, $0x1;
	_ =	strace $0x80000049;
	[dreg:$0x1] =	wrdreg $0xFFFFFFFF  }
0x1f: {  	s28 =	simm.s32 $_size_execute0_lowered;
	s3 =	sadd.s32 s3, s5;
	[dreg:$0x0] =	wrdreg $0x0  }
0x20: {  	s5 =	sshll.u32 s28, $0x1;
	[dreg:$0x2] =	wrdreg s3  }
0x21: {  	[dreg:$0x3] =	wrdreg s5  }
0x22: {  	[dreg:$0x4] =	wrdreg $0xC0  }
0x23: {  	_ =	task [dreg:s7], $0x5FFFF  }
0x24: {  	[dreg:$0x1] =	wrdreg $0xFFFFFFFF  }
0x25: {  	[dreg:$0x0] =	wrdreg $0x60  }
0x26: {  	[dreg:$0x2] =	wrdreg s25  }
0x27: {  	[dreg:$0x3] =	wrdreg s2  }
0x28: {  	[dreg:$0x4] =	wrdreg $0x9  }
0x29: {  	_ =	task.clear_ibuf [dreg:s7], $0x5FFFF;
	_ =	strace $0x90000049  }
0x2a: {  	s29 =	simm.s32 $0x9;
	_ =	strace $0x8000004B  }
0x2b: {  	_ =	swait.ge [sflag:s29], $0x1  }
0x2c: {  	[sflag:s29] =	ssyncadd.s32 $0xFFFFFFFF  }
0x2d: {  	_ =	strace $0x9000004B  }
0x2e: {  	_ =	sfence  }
0x2f: {  	s30 =	sld [smem:$0x0];
	_ =	sdelay $0x2  }
0x30: {  	s31 =	sshll.u32 s1, $0xD;
	s1 =	sshrl.u32 s1, $0x2  }
0x31: {  	s3 =	sand.u32 $0x4000, s31;
	s1 =	sadd.s32 s1, s30  }
0x32: {  	s0 =	sor.u32 s3, s0;
	s1 =	sshll.u32 s1, $0x11  }
0x33: {  	s0 =	sor.u32 s1, s0  }
0x34: {  	s0 =	sadd.s32 $0x8F2B, s0  }
0x35: {  	[sflag:s0] =	ssyncadd.remote.s32 $0x1  }
0x36: {  	_ =	sfence.sel $0xFFFF  }
0x37: {  	[dreg:$0x0] =	wrdreg $0xFFFFFFFF;
	(pc) =	sbr.abs _section_cstart, $3  }
0x38: {  	[dreg:$0x1] =	wrdreg $0xFFFFFFFF  }
0x39: {  	_ =	task.clear_ibuf [dreg:s7], $0x2FFFF;
	_ =	strace $0x9FFFFFFF  }
0x3a: {  	(tm) =	ssettm $0x7FFFFFFF  }
0x3b: {  	_ =	shalt  }
tec
execute0_lowered:
.L_overlay_start_1:
0x0: {  	(tag) =	ssettag $0x1  }
0x1: {  	s1 =	rddreg [dreg:$0x0]  }
0x2: {  	s2 =	rddreg [dreg:$0x1]  }
0x3: {  	s0 =	rddreg [dreg:$0x2]  }
0x4: {  	s4 =	srdreg.scid;
	_ =	strace $0x8000004A;
	s6 =	simm.s32 $0x2  }
0x5: {  	s14 =	simm.s32 $0x0;
	p0 =	por $0x0, $0x0;
	s15 =	simm.s32 $0x0  }
0x6: {  	s16 =	simm.s32 $0x0;
	s7 =	simm.s32 $0x0;
	s9 =	simm.s32 $0x0  }
.Ltmp0:
0x7: {  	s10 =	simm.s32 $0x0;
	s11 =	simm.s32 $0x0;
	(pc) =	sbr.rel .LBB1_1-.Ltmp0, $4  }
0x8: {  	s12 =	simm.s32 $0x0;
	s3 =	sadd.s32 $0x1800, s1;
	s4 =	sshll.u32 s4, $0x4  }
0x9: {  	s1 =	stileid.u32;
	s5 =	sand.u32 $0x10, s4;
	s4 =	simm.s32 $0x1  }
0xa: {  	s8 =	simm.s32 $0x0;
	s5 =	sor.u32 s1, s5;
	[sflag:s4] =	ssyncpa.u1 $0x0  }
0xb: {  	[sflag:s6] =	ssyncpa.u1 $0x0;
	s6 =	simm.s32 $0x1000;
	s13 =	smov.u32 s5  }
.LBB1_5:
0xc: {  	p1 =	slt.u32 s8, $0x2  }
0xd: {  	p2 =	sgt.s32 @!p1 s16, $0x1FF  }
0xe: {  	s17 =	smov.u32 s16;
	s18 =	sshra.s32 @!p1 s16, $0x1F;
	p2 =	por !p2, p1  }
0xf: {  	s16 =	sand.u32 @!p1 s18, s16;
	s17 =	simm.s32 @p2 $0x1FF  }
0x10: {  	p3 =	sgt.s32 @!p1 s15, $0x180;
	s16 =	ssub.s32 @!p1 s17, s16  }
0x11: {  	p3 =	por !p3, p1;
	s18 =	sshra.s32 @!p1 s15, $0x1F;
	s17 =	sadd.s32 @!p1 $0xFFFFFE01, s16  }
0x12: {  	s16 =	ssub.s32 @!p1 $0x200, s16;
	p2 =	sgt.s32 @!p1 s17, $0x0;
	s17 =	smov.u32 s15  }
0x13: {  	s15 =	sand.u32 @!p1 s18, s15;
	s17 =	simm.s32 @p3 $0x180;
	p3 =	sgt.s32 @!p1 s14, $0x40  }
0x14: {  	s18 =	smov.u32 s14;
	p2 =	por !p2, p1;
	p3 =	por !p3, p1  }
0x15: {  	s15 =	ssub.s32 @!p1 s17, s15;
	s17 =	sshra.s32 @!p1 s14, $0x1F;
	s16 =	simm.s32 @!p2 $0x0  }
0x16: {  	s18 =	simm.s32 @p3 $0x40;
	s14 =	sand.u32 @!p1 s17, s14;
	s17 =	sadd.s32 @!p1 $0xFFFFFE80, s15  }
0x17: {  	s15 =	ssub.s32 @!p1 $0x200, s15;
	s14 =	ssub.s32 @!p1 s18, s14;
	p2 =	sgt.s32 @!p1 s17, $0x7F  }
0x18: {  	s18 =	smov.u32 s12;
	s17 =	sadd.s32 @!p1 $0xFFFFFFC0, s14;
	p2 =	por !p2, p1  }
0x19: {  	s14 =	ssub.s32 @!p1 $0xC0, s14;
	p3 =	sgt.s32 @!p1 s17, $0x7F;
	s15 =	simm.s32 @!p2 $0x0  }
0x1a: {  	s17 =	sadd.s32 $0x80, s11;
	p2 =	por !p3, p1;
	s15 =	smul.u32 @!p1 s16, s15  }
0x1b: {  	s16 =	sadd.s32 $0x80, s12;
	s14 =	simm.s32 @!p2 $0x0;
	p2 =	sgt.s32 s17, $0xBF  }
0x1c: {  	s19 =	smov.u32 s13;
	s18 =	smov.u32 @p2 s16  }
0x1d: {  	s14 =	smul.u32 @!p1 s14, s15;
	s15 =	sadd.s32 $0x20, s13;
	p3 =	sgt.s32 s18, $0x1FF  }
0x1e: {  	s8 =	sadd.s32 $0x1, s8;
	p0 =	por !p0, !p0;
	s19 =	smov.u32 @p3 s15  }
0x1f: {  	s20 =	simm.s32 @!p1 $0x2;
	s17 =	simm.s32 @p2 $0x0;
	p2 =	sgt.s32 s19, $0x1FF  }
0x20: {  	s16 =	smov.u32 s10;
	s19 =	smov.u32 @p2 s5;
	p2 =	sne.s32 s8, $0x82  }
.Ltmp1:
0x21: {  	s10 =	smov.u32 s13;
	s14 =	sand.u32 @!p1 $0x3FFFFFFF, s14;
	(pc) =	sbr.rel @!p2 .LBB1_6-.Ltmp1, $4  }
0x22: {  	s18 =	simm.s32 @p3 $0x0;
	s15 =	smov.u32 s9;
	s9 =	smov.u32 s12  }
0x23: {  	_ =	swait.ge @!p1 [sflag:s20], s14;
	s21 =	ssub.s32 @!p1 $0x0, s14;
	s14 =	smov.u32 s7  }
0x24: {  	s7 =	smov.u32 s11;
	s11 =	smov.u32 s17;
	[sflag:s20] =	ssyncset.done @!p1 $0x0  }
0x25: {  	s12 =	smov.u32 s18;
	[sflag:s20] =	ssyncadd.s32 @!p1 s21;
	s13 =	smov.u32 s19  }
.LBB1_1:
0x26: {  	p1 =	sgt.u32 s8, $0x7F  }
0x27: {  	s17 =	sxor.u32 @!p1 $0xFFFFFFFF, s8  }
0x28: {  	s18 =	sshll.u32 @!p1 s12, $0x8;
	s19 =	sshll.u32 @!p1 s11, $0x3;
	s20 =	sshll.u32 @!p1 s12, $0x7  }
0x29: {  	s21 =	sand.u32 @!p1 $0x78, s11;
	s18 =	sand.u32 @!p1 $0x1F800, s18;
	s19 =	sand.u32 @!p1 $0x1FC00, s19  }
0x2a: {  	s17 =	sshll.u32 @!p1 s17, $0xE;
	s18 =	sadd.s32 @!p1 s18, s19;
	s19 =	sand.u32 @!p1 $0x300, s20  }
0x2b: {  	s17 =	sand.u32 @!p1 $0x4000, s17;
	s18 =	sor.u32 @!p1 s19, s18;
	s19 =	sand.u32 @!p1 $0x80, s20  }
0x2c: {  	s20 =	sshll.u32 @!p1 s13, $0xE;
	s19 =	sor.u32 @!p1 s21, s19;
	s18 =	sshrl.u32 @!p1 s18, $0x3  }
0x2d: {  	s20 =	sadd.s32 @!p1 s3, s20;
	s21 =	sand.u32 @!p1 $0x7, s11;
	s19 =	sshrl.u32 @!p1 s19, $0x3  }
0x2e: {  	s18 =	sand.u32 @!p1 $0x3FE0, s18;
	s19 =	sadd.s32 @!p1 s19, s20;
	s20 =	sshll.u32 @!p1 s21, $0x12  }
0x2f: {  	s18 =	sadd.s32 @!p1 s18, s19;
	s19 =	sor.u32 @!p1 $0x400, s20;
	s20 =	simm.s32 @!p1 $0x800  }
0x30: {  	[tilespmem:s17], [sflag:$0x1] =	stream.strided.gather @!p1 [hbm4b:s18+s19], $0x4000, s20, s19, $0x38;
	[tilespmem:$0x10100] =	vst v63  }
0x31: {  	p1 =	seq.s32 s8, $0x0  }
0x32: {  	p2 =	seq.s32 @!p1 s8, $0x81  }
0x33: {  	p1 =	por p1, p2  }
.Ltmp2:
0x34: {  	_ = 	snop;
	(pc) =	sbr.rel @p1 .LBB1_5-.Ltmp2, $1  }
0x35: {  	_ =	sdelay $0x3  }
0x36: {  	s17 =	simm.s32 $0x1  }
0x37: {  	_ =	swait.ge [sflag:s4], $0x4000;
	s17 =	simm.s32 @!p0 $0x0  }
0x38: {  	[sflag:s4] =	ssyncset.done $0x0;
	s18 =	sshll.u32 s17, $0xE  }
0x39: {  	[sflag:s4] =	ssyncadd.s32 $0xFFFFC000;
	s18 =	sor.u32 $0x40, s18  }
0x3a: {  	s17 =	smul.u32 $0x10200, s17;
	v0 =	vld [tilespmem:s18+$0x30]  }
0x3b: {  	v1 =	vld [tilespmem:s18+$0xFFFFFFD0]  }
0x3c: {  	s17 =	sshrl.u32 s17, $0x2;
	v5 =	vld [tilespmem:s18+$0xFFFFFFE0]  }
0x3d: {  	v6 =	vld [tilespmem:s18+$0xFFFFFFF0];
	s20 =	sor.u32 $0x8000, s17  }
0x3e: {  	s31 =	sand.u32 $0x1, s8;
	v4 =	vld [tilespmem:s18+$0x0];
	s19 =	sadd.s32 $0x0, s20  }
0x3f: {  	v3 =	vld [tilespmem:s18+$0x10];
	s17 =	smul.u32 $0x10200, s31;
	[tilespmem:s19+$0x3870 ss:$0x81] =	vst.msk $0xffff, v0  }
0x40: {  	v2 =	vld [tilespmem:s18+$0x20];
	[tilespmem:s19+$0x810 ss:$0x81] =	vst.msk $0xffff, v1  }
0x41: {  	s17 =	sshrl.u32 s17, $0x2;
	v1 =	vld [tilespmem:s18+$0xFFFFFFC0];
	[tilespmem:s19+$0x1020 ss:$0x81] =	vst.msk $0xffff, v5;
	s18 =	sadd.s32 $0x80, s18  }
0x42: {  	s21 =	simm.s32 $0x4;
	s22 =	simm.s32 $0x8;
	s17 =	sor.u32 $0x8000, s17;
	[tilespmem:s19+$0x1830 ss:$0x81] =	vst.msk $0xffff, v6;
	v0 =	vld [tilespmem:s18+$0x30]  }
.LBB1_3:
0x43: {  	p1 =	sne.s32 s22, $0x1FC;
	v5 =	vld [tilespmem:s18+$0xFFFFFFD0];
	[tilespmem:s19+$0x2040 ss:$0x81] =	vst.msk $0xffff, v4  }
0x44: {  	v6 =	vld [tilespmem:s18+$0xFFFFFFE0];
	[tilespmem:s19+$0x2850 ss:$0x81] =	vst.msk $0xffff, v3  }
0x45: {  	s23 =	sshra.s32 s21, $0x2;
	s21 =	smov.u32 s22;
	v7 =	vld [tilespmem:s18+$0xFFFFFFF0];
	[tilespmem:s19+$0x3060 ss:$0x81] =	vst.msk $0xffff, v2  }
.Ltmp3:
0x46: {  	v4 =	vld [tilespmem:s18+$0x0];
	[tilespmem:s19+$0x0 ss:$0x81] =	vst.msk $0xffff, v1;
	s19 =	sadd.s32 s23, s20;
	(pc) =	sbr.rel @p1 .LBB1_3-.Ltmp3, $4  }
0x47: {  	v3 =	vld [tilespmem:s18+$0x10];
	[tilespmem:s19+$0x3870 ss:$0x81] =	vst.msk $0xffff, v0  }
0x48: {  	[tilespmem:s19+$0x810 ss:$0x81] =	vst.msk $0xffff, v5;
	v2 =	vld [tilespmem:s18+$0x20]  }
0x49: {  	v1 =	vld [tilespmem:s18+$0xFFFFFFC0];
	[tilespmem:s19+$0x1020 ss:$0x81] =	vst.msk $0xffff, v6;
	s18 =	sadd.s32 $0x80, s18  }
0x4a: {  	s22 =	sadd.s32 $0x4, s22;
	v0 =	vld [tilespmem:s18+$0x30];
	[tilespmem:s19+$0x1830 ss:$0x81] =	vst.msk $0xffff, v7  }
0x4b: {  	s22 =	sshll.u32 s7, $0x9;
	s23 =	sshll.u32 s9, $0x3;
	s24 =	sshll.u32 s7, $0x7  }
0x4c: {  	s21 =	sshra.s32 s21, $0x2;
	p1 =	sgt.s32 s10, $0x1FF;
	s25 =	sshra.s32 s10, $0x1F  }
0x4d: {  	p2 =	sgt.s32 s9, $0x180;
	s26 =	smov.u32 s9;
	s27 =	sshra.s32 s9, $0x1F  }
0x4e: {  	s28 =	sshra.s32 s7, $0x1F;
	s22 =	sand.u32 $0xFFFFF000, s22;
	s23 =	sand.u32 $0xFFFFFC00, s23  }
0x4f: {  	s30 =	sand.u32 $0x200, s24;
	s25 =	sand.u32 s25, s10;
	s20 =	sadd.s32 s21, s20  }
0x50: {  	s26 =	simm.s32 @!p2 $0x180;
	s31 =	sand.u32 s27, s9;
	p2 =	sgt.s32 s7, $0x40  }
0x51: {  	s27 =	smov.u32 s7;
	s22 =	sadd.s32 s23, s22;
	s23 =	smov.u32 s10  }
0x52: {  	v5 =	vld [tilespmem:s18+$0xFFFFFFD0];
	s24 =	sand.u32 $0x180, s24;
	s22 =	sor.u32 s30, s22;
	s23 =	simm.s32 @!p1 $0x1FF  }
0x53: {  	[tilespmem:s19+$0x2040 ss:$0x81] =	vst.msk $0xffff, v4;
	v58 =	vld [tilespmem:s18+$0xFFFFFFE0];
	s27 =	simm.s32 @!p2 $0x40;
	s22 =	sshrl.u32 s22, $0x9;
	s23 =	ssub.s32 s23, s25  }
0x54: {  	[tilespmem:s19+$0x2850 ss:$0x81] =	vst.msk $0xffff, v3;
	s21 =	smulhi.u32 $0x1555556, s22;
	s25 =	sadd.s32 $0xFFFFFE01, s23;
	s23 =	ssub.s32 $0x200, s23  }
0x55: {  	v59 =	vld [tilespmem:s18+$0xFFFFFFF0];
	[tilespmem:s19+$0x3060 ss:$0x81] =	vst.msk $0xffff, v2;
	p1 =	sgt.s32 s25, $0x0;
	s25 =	ssub.s32 s26, s31;
	s26 =	sand.u32 s28, s7  }
0x56: {  	v60 =	vld [tilespmem:s18+$0x0];
	[tilespmem:s19+$0x0 ss:$0x81] =	vst.msk $0xffff, v1;
	s23 =	simm.s32 @p1 $0x0;
	s29 =	ssub.s32 s27, s26;
	s30 =	sadd.s32 $0xFFFFFE80, s25  }
0x57: {  	v61 =	vld [tilespmem:s18+$0x10];
	[tilespmem:s20+$0x3870 ss:$0x81] =	vst.msk $0xffff, v0;
	s25 =	ssub.s32 $0x200, s25;
	s21 =	smul.u32 $0xC0, s21;
	s26 =	sand.u32 $0x78, s9  }
0x58: {  	v62 =	vld [tilespmem:s18+$0x20];
	[tilespmem:s20+$0x810 ss:$0x81] =	vst.msk $0xffff, v5;
	s27 =	smul.u32 $0x3000, s10;
	p1 =	sgt.s32 s30, $0x7F;
	s31 =	sadd.s32 $0xFFFFFFC0, s29  }
0x59: {  	v63 =	vld [tilespmem:s18+$0xFFFFFFC0];
	[tilespmem:s20+$0x1020 ss:$0x81] =	vst.msk $0xffff, v58;
	s19 =	ssub.s32 $0xC0, s29;
	s18 =	sor.u32 s26, s24;
	s25 =	simm.s32 @p1 $0x0  }
0x5a: {  	[tilespmem:s20+$0x1830 ss:$0x81] =	vst.msk $0xffff, v59;
	s29 =	sand.u32 $0x7, s9;
	p2 =	sgt.s32 s31, $0x7F;
	s23 =	smul.u32 s23, s25  }
.Ltmp4:
0x5b: {  	[tilespmem:s20+$0x2040 ss:$0x81] =	vst.msk $0xffff, v60;
	s21 =	ssub.s32 s22, s21;
	s19 =	simm.s32 @p2 $0x0;
	(pc) =	sbr.rel .LBB1_5-.Ltmp4, $4  }
0x5c: {  	[tilespmem:s20+$0x2850 ss:$0x81] =	vst.msk $0xffff, v61;
	s18 =	sshrl.u32 s18, $0x3;
	s28 =	sadd.s32 s2, s27;
	s19 =	smul.u32 s19, s23  }
0x5d: {  	[tilespmem:s20+$0x3060 ss:$0x81] =	vst.msk $0xffff, v62;
	s30 =	sshll.u32 s29, $0x12;
	s21 =	sshll.u32 s21, $0x6;
	s18 =	sadd.s32 s18, s28  }
0x5e: {  	[tilespmem:s20+$0x0 ss:$0x81] =	vst.msk $0xffff, v63;
	s31 =	sor.u32 $0x400, s30;
	s18 =	sadd.s32 s21, s18;
	s19 =	sand.u32 $0x3FFFFFFF, s19  }
0x5f: {  	[hbm4b:s18+s31] =	stream.strided.scatter [tilespmem:s17], [sflag:$0x2], s19, s6, s31, $0x20;
	[tilespmem:$0x10100] =	vst v63  }
.LBB1_6:
0x60: {  	_ =	sfence.sel $0x180000  }
0x61: {  	s2 =	simm.s32 $0x1;
	[bflag:$0x0] =	sbarrier.arrive $0xFFFF  }
0x62: {  	s31 =	simm.s32 $0x2;
	[sflag:s2] =	ssyncpa.u1 $0x1  }
0x63: {  	[sflag:s31] =	ssyncpa.u1 $0x1  }
0x64: {  	p0 =	sne.s32 s1, $0x0;
	_ =	strace $0x9000004A  }
0x65: {  	s0 =	sadd.s32 @!p0 $0x100000, s0;
	[bflag:$0x2] =	sbarrier.arrive $0xFFFF  }
0x66: {  	[sflag:s0] =	ssyncadd.tile.s32 @!p0 $0x1;
	_ =	shalt  }
.Lfunc_end1:
_tile_overlayer_lowered:
.L_overlay_start_2:
0x67: {  	(tag) =	ssettag $0x2  }
0x68: {  	s0 =	rddreg [dreg:$0x0];
	s2 =	stileid.u32  }
0x69: {  	s1 =	rddreg [dreg:$0x1];
	p0 =	sne.s32 s2, $0x0  }
0x6a: {  	s3 =	rddreg [dreg:$0x2];
	[bflag:$0x3] =	sbarrier.arrive $0xFFFF;
	s2 =	simm.s32 @!p0 $0x1C01  }
0x6b: {  	[timem:s3], [sflag:s2] =	dma.local @!p0 [hbm:s0], s1  }
0x6c: {  	s0 =	simm.s32 @!p0 $0x1  }
0x6d: {  	_ =	swait.ge @!p0 [sflag:s0], s1  }
0x6e: {  	s1 =	ssub.s32 @!p0 $0x0, s1;
	[sflag:s0] =	ssyncset.done @!p0 $0x0  }
0x6f: {  	[sflag:s0] =	ssyncadd.s32 @!p0 s1  }
0x70: {  	[bflag:$0x3] =	sbarrier.arrive $0xFFFF  }
0x71: {  	_ =	shalt  }

</sc_bundles>
